<compile_context>
chip_gen: v7x
topology: tpu7x:2x2x1
jax: 0.10.2.dev20260603
libtpu: 0.0.44.dev20260713+nightly
codegen_flags: <defaults>
</compile_context>

<pallas_src>
import functools

import jax
import jax.numpy as jnp
from jax import lax
from jax.experimental import pallas as pl
from jax.experimental.pallas import tpu as pltpu
from jax.experimental.pallas import tpu_sc as plsc

N = 10000
E = 320000
D = 128

NC = 2
NS = 16
NW = NC * NS
E_PER_W = E // NW
CHUNK = 125
NCHUNK = E_PER_W // CHUNK
WIN = 16
NWIN = NCHUNK // WIN
NBUF = 2
R_SLICE = 624
R_TAIL = N - NS * R_SLICE

_MESH = plsc.VectorSubcoreMesh(core_axis_name="c", subcore_axis_name="s")


@functools.partial(
    pl.kernel,
    out_type=jax.ShapeDtypeStruct((NC, N), jnp.float32),
    mesh=_MESH,
    scratch_types=[
        pltpu.VMEM((NCHUNK, CHUNK), jnp.int32),
        pltpu.VMEM((CHUNK,), jnp.float32),
        pltpu.VMEM_SHARED((N,), jnp.float32),
    ],
    name="sc_degree_hist",
)
def _degree_hist(edges_hbm, ones_hbm, zeros_hbm, cnt_hbm, dst_idx, ones_v, cnt):
    c = lax.axis_index("c")
    s = lax.axis_index("s")
    w = c * NS + s

    pltpu.sync_copy(edges_hbm.at[1, w], dst_idx)
    pltpu.sync_copy(ones_hbm, ones_v)

    @pl.when(s == 0)
    def _():
        pltpu.sync_copy(zeros_hbm, cnt)

    plsc.subcore_barrier()

    def body(j, carry):
        pltpu.sync_copy(ones_v, cnt.at[dst_idx.at[j]], add=True)
        return carry

    lax.fori_loop(0, NCHUNK, body, 0)
    plsc.subcore_barrier()

    @pl.when(s == 0)
    def _():
        pltpu.sync_copy(cnt, cnt_hbm.at[c])


@functools.partial(
    pl.kernel,
    out_type=jax.ShapeDtypeStruct((NC, N, D), jnp.float32),
    mesh=_MESH,
    scratch_types=[
        pltpu.VMEM((WIN, CHUNK), jnp.int32),
        pltpu.VMEM((WIN, CHUNK), jnp.int32),
        [pltpu.VMEM((CHUNK, D), jnp.float32) for _ in range(NBUF)],
        [pltpu.SemaphoreType.DMA for _ in range(NBUF)],
        [pltpu.SemaphoreType.DMA for _ in range(NBUF)],
        pltpu.VMEM_SHARED((N, D), jnp.float32),
    ],
    name="sc_edge_aggregate",
)
def _edge_aggregate(y_hbm, edges_hbm, zeros_hbm, acc_hbm,
                    src_idx, dst_idx, rows, gsem, ssem, acc):
    c = lax.axis_index("c")
    s = lax.axis_index("s")
    w = c * NS + s

    pltpu.sync_copy(zeros_hbm.at[pl.ds(0, R_SLICE)],
                    acc.at[pl.ds(s * R_SLICE, R_SLICE)])

    @pl.when(s == 0)
    def _():
        pltpu.sync_copy(zeros_hbm.at[pl.ds(0, R_TAIL)],
                        acc.at[pl.ds(NS * R_SLICE, R_TAIL)])

    plsc.subcore_barrier()

    def window(wi, carry):
        pltpu.sync_copy(edges_hbm.at[0, w, pl.ds(wi * WIN, WIN)], src_idx)
        pltpu.sync_copy(edges_hbm.at[1, w, pl.ds(wi * WIN, WIN)], dst_idx)
        pltpu.async_copy(y_hbm.at[src_idx.at[0]], rows[0], gsem[0])

        def body(p, carry2):
            for q in range(NBUF):
                j = NBUF * p + q
                qo = q ^ 1

                @pl.when((j >= 1) & (j <= WIN - 2))
                def _():
                    pltpu.make_async_copy(rows[qo], acc.at[dst_idx.at[0]],
                                          ssem[qo]).wait()
                    pltpu.async_copy(y_hbm.at[src_idx.at[j + 1]], rows[qo],
                                     gsem[qo])

                @pl.when(j == 0)
                def _():
                    pltpu.async_copy(y_hbm.at[src_idx.at[1]], rows[1], gsem[1])

                pltpu.make_async_copy(y_hbm.at[src_idx.at[j]], rows[q],
                                      gsem[q]).wait()
                pltpu.async_copy(rows[q], acc.at[dst_idx.at[j]], ssem[q],
                                 add=True)
            return carry2

        lax.fori_loop(0, WIN // NBUF, body, 0)
        pltpu.make_async_copy(rows[0], acc.at[dst_idx.at[0]], ssem[0]).wait()
        pltpu.make_async_copy(rows[1], acc.at[dst_idx.at[0]], ssem[1]).wait()
        return carry

    lax.fori_loop(0, NWIN, window, 0)
    plsc.subcore_barrier()
    pltpu.sync_copy(
        acc.at[pl.ds(s * R_SLICE, R_SLICE)],
        acc_hbm.at[c, pl.ds(s * R_SLICE, R_SLICE)],
    )

    @pl.when(s == 0)
    def _():
        pltpu.sync_copy(
            acc.at[pl.ds(NS * R_SLICE, R_TAIL)],
            acc_hbm.at[c, pl.ds(NS * R_SLICE, R_TAIL)],
        )


_BLK = 2000


def _mm_body(x_ref, w_ref, xw_ref):
    xw_ref[...] = jnp.dot(x_ref[...], w_ref[...],
                          preferred_element_type=jnp.float32)


def _matmul(x, W):
    return pl.pallas_call(
        _mm_body,
        grid=(N // _BLK,),
        in_specs=[
            pl.BlockSpec((_BLK, D), lambda i: (i, 0)),
            pl.BlockSpec((D, D), lambda i: (0, 0)),
        ],
        out_specs=pl.BlockSpec((_BLK, D), lambda i: (i, 0)),
        out_shape=jax.ShapeDtypeStruct((N, D), jnp.float32),
    )(x, W)


def _scale_body(xw_ref, cnt0_ref, cnt1_ref, y_ref, dis_ref):
    deg = 1.0 + cnt0_ref[...] + cnt1_ref[...]
    dis = lax.rsqrt(deg)
    y_ref[...] = xw_ref[...] * dis
    dis_ref[...] = dis


def _scale(xw, cnt0, cnt1):
    return pl.pallas_call(
        _scale_body,
        grid=(N // _BLK,),
        in_specs=[
            pl.BlockSpec((_BLK, D), lambda i: (i, 0)),
            pl.BlockSpec((_BLK, 1), lambda i: (i, 0)),
            pl.BlockSpec((_BLK, 1), lambda i: (i, 0)),
        ],
        out_specs=[
            pl.BlockSpec((_BLK, D), lambda i: (i, 0)),
            pl.BlockSpec((_BLK, 1), lambda i: (i, 0)),
        ],
        out_shape=[
            jax.ShapeDtypeStruct((N, D), jnp.float32),
            jax.ShapeDtypeStruct((N, 1), jnp.float32),
        ],
    )(xw, cnt0, cnt1)


def _fin_body(acc_ref, y_ref, dis_ref, b_ref, pw_ref, o_ref):
    t = acc_ref[0] + acc_ref[1] + y_ref[...]
    t = t * dis_ref[...] + b_ref[...]
    t = jnp.where(t >= 0, t, pw_ref[...] * t)
    nrm = jnp.sqrt(jnp.sum(t * t, axis=1, keepdims=True))
    o_ref[...] = t / jnp.maximum(nrm, 1e-12)


def _finalize(acc, y, dis, b2, pw2):
    return pl.pallas_call(
        _fin_body,
        grid=(N // _BLK,),
        in_specs=[
            pl.BlockSpec((NC, _BLK, D), lambda i: (0, i, 0)),
            pl.BlockSpec((_BLK, D), lambda i: (i, 0)),
            pl.BlockSpec((_BLK, 1), lambda i: (i, 0)),
            pl.BlockSpec((1, D), lambda i: (0, 0)),
            pl.BlockSpec((1, D), lambda i: (0, 0)),
        ],
        out_specs=pl.BlockSpec((_BLK, D), lambda i: (i, 0)),
        out_shape=jax.ShapeDtypeStruct((N, D), jnp.float32),
    )(acc, y, dis, b2, pw2)


def kernel(x, edge_index, W, b, prelu_w):
    if edge_index.dtype != jnp.int32:
        edge_index = edge_index.astype(jnp.int32)
    er = edge_index.reshape(2, NW, NCHUNK, CHUNK)

    ones_c = jnp.ones((CHUNK,), jnp.float32)
    zeros_n = jnp.zeros((N,), jnp.float32)
    zeros_rows = jnp.zeros((R_SLICE, D), jnp.float32)

    cnt = _degree_hist(er, ones_c, zeros_n)
    xw = _matmul(x, W)
    y, dis = _scale(xw, cnt[0][:, None], cnt[1][:, None])
    acc = _edge_aggregate(y, er, zeros_rows)
    return _finalize(acc, y, dis, b[None, :], prelu_w[None, :])

# --- scband reference (transcript-rebuilt; emitter-appended) ---
"""Pipeline reference for scband-encoder-67808943669372 (READ-ONLY COPY).

The authoritative reference and input builder live on the scoring server;
editing this copy changes nothing except your own understanding.
"""

import jax, jax.numpy as jnp
import numpy as np

N_NODES = 10000
N_EDGES = 320000
D_IN = 128
D_HID = 128


def setup_inputs(seed: int = 0) -> dict:
    key = jax.random.key(seed)
    k1, k2, k3, k4 = jax.random.split(key, 4)
    x = jax.random.normal(k1, (N_NODES, D_IN), dtype=jnp.float32)
    edge_index = jax.random.randint(k2, (2, N_EDGES), 0, N_NODES)
    # GCNConv learned params (glorot-ish init for W, zeros bias)
    W = jax.random.normal(k3, (D_IN, D_HID), dtype=jnp.float32) * (1.0 / np.sqrt(D_IN))
    b = jnp.zeros((D_HID,), dtype=jnp.float32)
    # PReLU per-channel weight, torch default init 0.25
    prelu_w = jnp.full((D_HID,), 0.25, dtype=jnp.float32)
    return {"x": x, "edge_index": edge_index, "W": W, "b": b, "prelu_w": prelu_w}


def reference(x, edge_index, W, b, prelu_w):
    N = x.shape[0]
    src = edge_index[0]
    dst = edge_index[1]
    # GCNConv default: add self-loops
    loop = jnp.arange(N, dtype=src.dtype)
    src = jnp.concatenate([src, loop])
    dst = jnp.concatenate([dst, loop])
    # linear transform
    xw = x @ W
    # symmetric normalization: deg over dst (col), norm = d^-1/2[src] * d^-1/2[dst]
    deg = jnp.zeros((N,), dtype=x.dtype).at[dst].add(1.0)
    deg_inv_sqrt = jnp.where(deg > 0, 1.0 / jnp.sqrt(deg), 0.0)
    norm = deg_inv_sqrt[src] * deg_inv_sqrt[dst]
    # gather messages from src, scale, scatter-add to dst
    msg = xw[src] * norm[:, None]
    out = jnp.zeros((N, xw.shape[1]), dtype=x.dtype).at[dst].add(msg)
    out = out + b
    # PReLU (per-channel)
    out = jnp.where(out >= 0, out, prelu_w[None, :] * out)
    # F.normalize: L2 row-normalize with clamp_min(1e-12)
    nrm = jnp.sqrt(jnp.sum(out * out, axis=1, keepdims=True))
    out = out / jnp.maximum(nrm, 1e-12)
    return out

if __name__ == "__main__":
    import jax
    _d = setup_inputs()
    print(jax.jit(kernel)(*tuple(_d.values())))

</pallas_src>

<mosaic_0001>
#map = affine_map<(d0, d1) -> (0, 0)>
#map1 = affine_map<(d0, d1) -> (0, 0, 0, 0)>
#map2 = affine_map<(d0, d1) -> (0, 0, 0)>
module attributes {stable_mosaic.version = 14 : i64} {
  func.func @sc_edge_aggregate(%arg0: i32, %arg1: i32, %arg2: memref<10000x128xf32, #tpu.memory_space<hbm>>, %arg3: memref<2x32x80x125xi32, #tpu.memory_space<hbm>>, %arg4: memref<624x128xf32, #tpu.memory_space<hbm>>, %arg5: memref<2x10000x128xf32, #tpu.memory_space<hbm>>, %arg6: memref<16x125xi32, #tpu.memory_space<vmem>>, %arg7: memref<16x125xi32, #tpu.memory_space<vmem>>, %arg8: memref<125x128xf32, #tpu.memory_space<vmem>>, %arg9: memref<125x128xf32, #tpu.memory_space<vmem>>, %arg10: memref<!tpu.dma_semaphore, #tpu.memory_space<semaphore_mem>>, %arg11: memref<!tpu.dma_semaphore, #tpu.memory_space<semaphore_mem>>, %arg12: memref<!tpu.dma_semaphore, #tpu.memory_space<semaphore_mem>>, %arg13: memref<!tpu.dma_semaphore, #tpu.memory_space<semaphore_mem>>, %arg14: memref<10000x128xf32, #tpu.memory_space<vmem_shared>>) attributes {dimension_semantics = [#tpu.dimension_semantics<core_parallel>, #tpu.dimension_semantics<subcore_parallel>], iteration_bounds = array<i64: 2, 16>, scalar_prefetch = 0 : i64, scratch_operands = 9 : i64, tpu.core_type = #tpu.core_type<sc_vector_subcore>, window_params = [{transform_indices = #map}, {transform_indices = #map1}, {transform_indices = #map}, {transform_indices = #map2}]} {
    %mul3A = arith.constant 16 : i32
    %mul3A_0 = arith.muli %arg0, %mul3A : i32
    %add3A = arith.addi %mul3A_0, %arg1 : i32
    %mul3A_1 = arith.constant 624 : i32
    %mul3A_2 = arith.muli %arg1, %mul3A_1 : i32
    "tpu.region"() ({
      %run_scoped3A = tpu.sem_alloc : memref<!tpu.dma_semaphore, #tpu.memory_space<semaphore_mem>>
      %dma_start3A = arith.constant 0 : i32
      %dma_start3A_20 = tpu.memref_slice %arg14[%mul3A_2, %dma_start3A] : memref<10000x128xf32, #tpu.memory_space<vmem_shared>> -> memref<624x128xf32, #tpu.memory_space<vmem_shared>>
      %dma_start3A_21 = arith.constant 0 : i32
      %dma_start3A_22 = arith.constant 0 : i32
      %dma_start3A_23 = tpu.memref_slice %arg4[%dma_start3A_21, %dma_start3A_22] : memref<624x128xf32, #tpu.memory_space<hbm>> -> memref<624x128xf32, #tpu.memory_space<hbm>>
      tpu.enqueue_dma source(%dma_start3A_23 : memref<624x128xf32, #tpu.memory_space<hbm>>) target(%dma_start3A_20 : memref<624x128xf32, #tpu.memory_space<vmem_shared>>) target_semaphore(%run_scoped3A : memref<!tpu.dma_semaphore, #tpu.memory_space<semaphore_mem>>)
      %dma_wait3A = arith.constant 0 : i32
      %dma_wait3A_24 = tpu.memref_slice %arg14[%mul3A_2, %dma_wait3A] : memref<10000x128xf32, #tpu.memory_space<vmem_shared>> -> memref<624x128xf32, #tpu.memory_space<vmem_shared>>
      %dma_wait3A_25 = arith.constant 0 : i32
      %dma_wait3A_26 = arith.constant 0 : i32
      %dma_wait3A_27 = tpu.memref_slice %arg4[%dma_wait3A_25, %dma_wait3A_26] : memref<624x128xf32, #tpu.memory_space<hbm>> -> memref<624x128xf32, #tpu.memory_space<hbm>>
      tpu.wait_dma2 semaphore(%run_scoped3A : memref<!tpu.dma_semaphore, #tpu.memory_space<semaphore_mem>>) src(%dma_wait3A_27 : memref<624x128xf32, #tpu.memory_space<hbm>>) dst(%dma_wait3A_24 : memref<624x128xf32, #tpu.memory_space<vmem_shared>>)
      tpu.yield
    }) : () -> ()
    %eq3A = arith.constant 0 : i32
    %eq3A_3 = arith.cmpi eq, %arg1, %eq3A : i32
    %convert_element_type3A = arith.extui %eq3A_3 : i1 to i32
    %cond3A = arith.constant 0 : i32
    %cond3A_4 = arith.cmpi ne, %convert_element_type3A, %cond3A : i32
    scf.if %cond3A_4 {
      "tpu.region"() ({
        %run_scoped3A = tpu.sem_alloc : memref<!tpu.dma_semaphore, #tpu.memory_space<semaphore_mem>>
        %dma_start3A = arith.constant 9984 : i32
        %dma_start3A_20 = arith.constant 0 : i32
        %dma_start3A_21 = tpu.memref_slice %arg14[%dma_start3A, %dma_start3A_20] : memref<10000x128xf32, #tpu.memory_space<vmem_shared>> -> memref<16x128xf32, #tpu.memory_space<vmem_shared>>
        %dma_start3A_22 = arith.constant 0 : i32
        %dma_start3A_23 = arith.constant 0 : i32
        %dma_start3A_24 = tpu.memref_slice %arg4[%dma_start3A_22, %dma_start3A_23] : memref<624x128xf32, #tpu.memory_space<hbm>> -> memref<16x128xf32, #tpu.memory_space<hbm>>
        tpu.enqueue_dma source(%dma_start3A_24 : memref<16x128xf32, #tpu.memory_space<hbm>>) target(%dma_start3A_21 : memref<16x128xf32, #tpu.memory_space<vmem_shared>>) target_semaphore(%run_scoped3A : memref<!tpu.dma_semaphore, #tpu.memory_space<semaphore_mem>>)
        %dma_wait3A = arith.constant 9984 : i32
        %dma_wait3A_25 = arith.constant 0 : i32
        %dma_wait3A_26 = tpu.memref_slice %arg14[%dma_wait3A, %dma_wait3A_25] : memref<10000x128xf32, #tpu.memory_space<vmem_shared>> -> memref<16x128xf32, #tpu.memory_space<vmem_shared>>
        %dma_wait3A_27 = arith.constant 0 : i32
        %dma_wait3A_28 = arith.constant 0 : i32
        %dma_wait3A_29 = tpu.memref_slice %arg4[%dma_wait3A_27, %dma_wait3A_28] : memref<624x128xf32, #tpu.memory_space<hbm>> -> memref<16x128xf32, #tpu.memory_space<hbm>>
        tpu.wait_dma2 semaphore(%run_scoped3A : memref<!tpu.dma_semaphore, #tpu.memory_space<semaphore_mem>>) src(%dma_wait3A_29 : memref<16x128xf32, #tpu.memory_space<hbm>>) dst(%dma_wait3A_26 : memref<16x128xf32, #tpu.memory_space<vmem_shared>>)
        tpu.yield
      }) : () -> ()
    } else {
    }
    %barrier3A = arith.constant 0 : index
    tpu.barrier barrier_id(%barrier3A)
    %scan3A = arith.constant 0 : i32
    %scan3A_5 = arith.constant 0 : i32
    %scan3A_6 = arith.constant 5 : i32
    %scan3A_7 = arith.addi %scan3A_5, %scan3A_6 : i32
    %scan3A_8 = arith.constant 1 : i32
    scf.for %scan3A_20 = %scan3A_5 to %scan3A_7 step %scan3A_8  : i32 {
      %mul3A_21 = arith.constant 16 : i32
      %mul3A_22 = arith.muli %scan3A_20, %mul3A_21 : i32
      %run_scoped3A = arith.constant 0 : i32
      "tpu.region"() ({
        %run_scoped3A_51 = tpu.sem_alloc : memref<!tpu.dma_semaphore, #tpu.memory_space<semaphore_mem>>
        %dma_start3A_52 = arith.constant 0 : i32
        %dma_start3A_53 = tpu.memref_slice %arg3[%run_scoped3A, %add3A, %mul3A_22, %dma_start3A_52] : memref<2x32x80x125xi32, #tpu.memory_space<hbm>> -> memref<1x1x16x125xi32, #tpu.memory_space<hbm>>
        %dma_start3A_54 = tpu.memref_squeeze %dma_start3A_53 : memref<1x1x16x125xi32, #tpu.memory_space<hbm>> -> memref<16x125xi32, #tpu.memory_space<hbm>>
        %dma_start3A_55 = arith.constant 0 : i32
        %dma_start3A_56 = tpu.memref_slice %arg3[%run_scoped3A, %add3A, %mul3A_22, %dma_start3A_55] : memref<2x32x80x125xi32, #tpu.memory_space<hbm>> -> memref<1x1x16x125xi32, #tpu.memory_space<hbm>>
        %dma_start3A_57 = tpu.memref_squeeze %dma_start3A_56 : memref<1x1x16x125xi32, #tpu.memory_space<hbm>> -> memref<16x125xi32, #tpu.memory_space<hbm>>
        tpu.enqueue_dma source(%dma_start3A_57 : memref<16x125xi32, #tpu.memory_space<hbm>>) target(%arg6 : memref<16x125xi32, #tpu.memory_space<vmem>>) target_semaphore(%run_scoped3A_51 : memref<!tpu.dma_semaphore, #tpu.memory_space<semaphore_mem>>)
        %dma_wait3A_58 = arith.constant 0 : i32
        %dma_wait3A_59 = tpu.memref_slice %arg3[%run_scoped3A, %add3A, %mul3A_22, %dma_wait3A_58] : memref<2x32x80x125xi32, #tpu.memory_space<hbm>> -> memref<1x1x16x125xi32, #tpu.memory_space<hbm>>
        %dma_wait3A_60 = tpu.memref_squeeze %dma_wait3A_59 : memref<1x1x16x125xi32, #tpu.memory_space<hbm>> -> memref<16x125xi32, #tpu.memory_space<hbm>>
        %dma_wait3A_61 = arith.constant 0 : i32
        %dma_wait3A_62 = tpu.memref_slice %arg3[%run_scoped3A, %add3A, %mul3A_22, %dma_wait3A_61] : memref<2x32x80x125xi32, #tpu.memory_space<hbm>> -> memref<1x1x16x125xi32, #tpu.memory_space<hbm>>
        %dma_wait3A_63 = tpu.memref_squeeze %dma_wait3A_62 : memref<1x1x16x125xi32, #tpu.memory_space<hbm>> -> memref<16x125xi32, #tpu.memory_space<hbm>>
        tpu.wait_dma2 semaphore(%run_scoped3A_51 : memref<!tpu.dma_semaphore, #tpu.memory_space<semaphore_mem>>) src(%dma_wait3A_63 : memref<16x125xi32, #tpu.memory_space<hbm>>) dst(%arg6 : memref<16x125xi32, #tpu.memory_space<vmem>>)
        tpu.yield
      }) : () -> ()
      %mul3A_23 = arith.constant 16 : i32
      %mul3A_24 = arith.muli %scan3A_20, %mul3A_23 : i32
      %run_scoped3A_25 = arith.constant 1 : i32
      "tpu.region"() ({
        %run_scoped3A_51 = tpu.sem_alloc : memref<!tpu.dma_semaphore, #tpu.memory_space<semaphore_mem>>
        %dma_start3A_52 = arith.constant 0 : i32
        %dma_start3A_53 = tpu.memref_slice %arg3[%run_scoped3A_25, %add3A, %mul3A_24, %dma_start3A_52] : memref<2x32x80x125xi32, #tpu.memory_space<hbm>> -> memref<1x1x16x125xi32, #tpu.memory_space<hbm>>
        %dma_start3A_54 = tpu.memref_squeeze %dma_start3A_53 : memref<1x1x16x125xi32, #tpu.memory_space<hbm>> -> memref<16x125xi32, #tpu.memory_space<hbm>>
        %dma_start3A_55 = arith.constant 0 : i32
        %dma_start3A_56 = tpu.memref_slice %arg3[%run_scoped3A_25, %add3A, %mul3A_24, %dma_start3A_55] : memref<2x32x80x125xi32, #tpu.memory_space<hbm>> -> memref<1x1x16x125xi32, #tpu.memory_space<hbm>>
        %dma_start3A_57 = tpu.memref_squeeze %dma_start3A_56 : memref<1x1x16x125xi32, #tpu.memory_space<hbm>> -> memref<16x125xi32, #tpu.memory_space<hbm>>
        tpu.enqueue_dma source(%dma_start3A_57 : memref<16x125xi32, #tpu.memory_space<hbm>>) target(%arg7 : memref<16x125xi32, #tpu.memory_space<vmem>>) target_semaphore(%run_scoped3A_51 : memref<!tpu.dma_semaphore, #tpu.memory_space<semaphore_mem>>)
        %dma_wait3A_58 = arith.constant 0 : i32
        %dma_wait3A_59 = tpu.memref_slice %arg3[%run_scoped3A_25, %add3A, %mul3A_24, %dma_wait3A_58] : memref<2x32x80x125xi32, #tpu.memory_space<hbm>> -> memref<1x1x16x125xi32, #tpu.memory_space<hbm>>
        %dma_wait3A_60 = tpu.memref_squeeze %dma_wait3A_59 : memref<1x1x16x125xi32, #tpu.memory_space<hbm>> -> memref<16x125xi32, #tpu.memory_space<hbm>>
        %dma_wait3A_61 = arith.constant 0 : i32
        %dma_wait3A_62 = tpu.memref_slice %arg3[%run_scoped3A_25, %add3A, %mul3A_24, %dma_wait3A_61] : memref<2x32x80x125xi32, #tpu.memory_space<hbm>> -> memref<1x1x16x125xi32, #tpu.memory_space<hbm>>
        %dma_wait3A_63 = tpu.memref_squeeze %dma_wait3A_62 : memref<1x1x16x125xi32, #tpu.memory_space<hbm>> -> memref<16x125xi32, #tpu.memory_space<hbm>>
        tpu.wait_dma2 semaphore(%run_scoped3A_51 : memref<!tpu.dma_semaphore, #tpu.memory_space<semaphore_mem>>) src(%dma_wait3A_63 : memref<16x125xi32, #tpu.memory_space<hbm>>) dst(%arg7 : memref<16x125xi32, #tpu.memory_space<vmem>>)
        tpu.yield
      }) : () -> ()
      %dma_start3A = arith.constant 0 : i32
      %dma_start3A_26 = arith.constant 0 : i32
      %dma_start3A_27 = tpu.memref_slice %arg6[%dma_start3A, %dma_start3A_26] : memref<16x125xi32, #tpu.memory_space<vmem>> -> memref<1x125xi32, #tpu.memory_space<vmem>>
      %dma_start3A_28 = tpu.memref_squeeze %dma_start3A_27 : memref<1x125xi32, #tpu.memory_space<vmem>> -> memref<125xi32, #tpu.memory_space<vmem>>
      %dma_start3A_29 = arith.constant 0 : i32
      %dma_start3A_30 = arith.constant 0 : i32
      %dma_start3A_31 = tpu.memref_slice %arg2[%dma_start3A_29, %dma_start3A_30] : memref<10000x128xf32, #tpu.memory_space<hbm>> -> memref<10000x128xf32, #tpu.memory_space<hbm>>
      tpu.enqueue_indirect_dma source(%dma_start3A_31 : memref<10000x128xf32, #tpu.memory_space<hbm>>) target(%arg8 : memref<125x128xf32, #tpu.memory_space<vmem>>) offsets(%dma_start3A_28 : memref<125xi32, #tpu.memory_space<vmem>>) semaphore(%arg10 : memref<!tpu.dma_semaphore, #tpu.memory_space<semaphore_mem>>)
      %scan3A_32 = arith.constant 0 : i32
      %scan3A_33 = arith.constant 0 : i32
      %scan3A_34 = arith.constant 8 : i32
      %scan3A_35 = arith.addi %scan3A_33, %scan3A_34 : i32
      %scan3A_36 = arith.constant 1 : i32
      scf.for %scan3A_51 = %scan3A_33 to %scan3A_35 step %scan3A_36  : i32 {
        %mul3A_52 = arith.constant 2 : i32
        %mul3A_53 = arith.muli %mul3A_52, %scan3A_51 : i32
        %add3A_54 = arith.constant 0 : i32
        %add3A_55 = arith.addi %mul3A_53, %add3A_54 : i32
        %ge3A = arith.constant 1 : i32
        %ge3A_56 = arith.cmpi sge, %add3A_55, %ge3A : i32
        %le3A = arith.constant 14 : i32
        %le3A_57 = arith.cmpi sle, %add3A_55, %le3A : i32
        %and3A = arith.andi %ge3A_56, %le3A_57 : i1
        %convert_element_type3A_58 = arith.extui %and3A : i1 to i32
        %cond3A_59 = arith.constant 0 : i32
        %cond3A_60 = arith.cmpi ne, %convert_element_type3A_58, %cond3A_59 : i32
        scf.if %cond3A_60 {
          %dma_wait3A_107 = arith.constant 0 : i32
          %dma_wait3A_108 = arith.constant 0 : i32
          %dma_wait3A_109 = tpu.memref_slice %arg7[%dma_wait3A_107, %dma_wait3A_108] : memref<16x125xi32, #tpu.memory_space<vmem>> -> memref<1x125xi32, #tpu.memory_space<vmem>>
          %dma_wait3A_110 = tpu.memref_squeeze %dma_wait3A_109 : memref<1x125xi32, #tpu.memory_space<vmem>> -> memref<125xi32, #tpu.memory_space<vmem>>
          %dma_wait3A_111 = arith.constant 0 : i32
          %dma_wait3A_112 = arith.constant 0 : i32
          %dma_wait3A_113 = tpu.memref_slice %arg14[%dma_wait3A_111, %dma_wait3A_112] : memref<10000x128xf32, #tpu.memory_space<vmem_shared>> -> memref<10000x128xf32, #tpu.memory_space<vmem_shared>>
          tpu.wait_indirect_dma semaphore(%arg13 : memref<!tpu.dma_semaphore, #tpu.memory_space<semaphore_mem>>) src(%arg9 : memref<125x128xf32, #tpu.memory_space<vmem>>) dst(%dma_wait3A_113 : memref<10000x128xf32, #tpu.memory_space<vmem_shared>>)
          %add3A_114 = arith.constant 1 : i32
          %add3A_115 = arith.addi %add3A_55, %add3A_114 : i32
          %dma_start3A_116 = arith.constant 0 : i32
          %dma_start3A_117 = tpu.memref_slice %arg6[%add3A_115, %dma_start3A_116] : memref<16x125xi32, #tpu.memory_space<vmem>> -> memref<1x125xi32, #tpu.memory_space<vmem>>
          %dma_start3A_118 = tpu.memref_squeeze %dma_start3A_117 : memref<1x125xi32, #tpu.memory_space<vmem>> -> memref<125xi32, #tpu.memory_space<vmem>>
          %dma_start3A_119 = arith.constant 0 : i32
          %dma_start3A_120 = arith.constant 0 : i32
          %dma_start3A_121 = tpu.memref_slice %arg2[%dma_start3A_119, %dma_start3A_120] : memref<10000x128xf32, #tpu.memory_space<hbm>> -> memref<10000x128xf32, #tpu.memory_space<hbm>>
          tpu.enqueue_indirect_dma source(%dma_start3A_121 : memref<10000x128xf32, #tpu.memory_space<hbm>>) target(%arg9 : memref<125x128xf32, #tpu.memory_space<vmem>>) offsets(%dma_start3A_118 : memref<125xi32, #tpu.memory_space<vmem>>) semaphore(%arg11 : memref<!tpu.dma_semaphore, #tpu.memory_space<semaphore_mem>>)
        } else {
        }
        %eq3A_61 = arith.constant 0 : i32
        %eq3A_62 = arith.cmpi eq, %add3A_55, %eq3A_61 : i32
        %convert_element_type3A_63 = arith.extui %eq3A_62 : i1 to i32
        %cond3A_64 = arith.constant 0 : i32
        %cond3A_65 = arith.cmpi ne, %convert_element_type3A_63, %cond3A_64 : i32
        scf.if %cond3A_65 {
          %dma_start3A_107 = arith.constant 1 : i32
          %dma_start3A_108 = arith.constant 0 : i32
          %dma_start3A_109 = tpu.memref_slice %arg6[%dma_start3A_107, %dma_start3A_108] : memref<16x125xi32, #tpu.memory_space<vmem>> -> memref<1x125xi32, #tpu.memory_space<vmem>>
          %dma_start3A_110 = tpu.memref_squeeze %dma_start3A_109 : memref<1x125xi32, #tpu.memory_space<vmem>> -> memref<125xi32, #tpu.memory_space<vmem>>
          %dma_start3A_111 = arith.constant 0 : i32
          %dma_start3A_112 = arith.constant 0 : i32
          %dma_start3A_113 = tpu.memref_slice %arg2[%dma_start3A_111, %dma_start3A_112] : memref<10000x128xf32, #tpu.memory_space<hbm>> -> memref<10000x128xf32, #tpu.memory_space<hbm>>
          tpu.enqueue_indirect_dma source(%dma_start3A_113 : memref<10000x128xf32, #tpu.memory_space<hbm>>) target(%arg9 : memref<125x128xf32, #tpu.memory_space<vmem>>) offsets(%dma_start3A_110 : memref<125xi32, #tpu.memory_space<vmem>>) semaphore(%arg11 : memref<!tpu.dma_semaphore, #tpu.memory_space<semaphore_mem>>)
        } else {
        }
        %dma_wait3A_66 = arith.constant 0 : i32
        %dma_wait3A_67 = tpu.memref_slice %arg6[%add3A_55, %dma_wait3A_66] : memref<16x125xi32, #tpu.memory_space<vmem>> -> memref<1x125xi32, #tpu.memory_space<vmem>>
        %dma_wait3A_68 = tpu.memref_squeeze %dma_wait3A_67 : memref<1x125xi32, #tpu.memory_space<vmem>> -> memref<125xi32, #tpu.memory_space<vmem>>
        %dma_wait3A_69 = arith.constant 0 : i32
        %dma_wait3A_70 = arith.constant 0 : i32
        %dma_wait3A_71 = tpu.memref_slice %arg2[%dma_wait3A_69, %dma_wait3A_70] : memref<10000x128xf32, #tpu.memory_space<hbm>> -> memref<10000x128xf32, #tpu.memory_space<hbm>>
        tpu.wait_indirect_dma semaphore(%arg10 : memref<!tpu.dma_semaphore, #tpu.memory_space<semaphore_mem>>) src(%dma_wait3A_71 : memref<10000x128xf32, #tpu.memory_space<hbm>>) dst(%arg8 : memref<125x128xf32, #tpu.memory_space<vmem>>)
        %dma_start3A_72 = arith.constant 0 : i32
        %dma_start3A_73 = tpu.memref_slice %arg7[%add3A_55, %dma_start3A_72] : memref<16x125xi32, #tpu.memory_space<vmem>> -> memref<1x125xi32, #tpu.memory_space<vmem>>
        %dma_start3A_74 = tpu.memref_squeeze %dma_start3A_73 : memref<1x125xi32, #tpu.memory_space<vmem>> -> memref<125xi32, #tpu.memory_space<vmem>>
        %dma_start3A_75 = arith.constant 0 : i32
        %dma_start3A_76 = arith.constant 0 : i32
        %dma_start3A_77 = tpu.memref_slice %arg14[%dma_start3A_75, %dma_start3A_76] : memref<10000x128xf32, #tpu.memory_space<vmem_shared>> -> memref<10000x128xf32, #tpu.memory_space<vmem_shared>>
        tpu.enqueue_indirect_dma source(%arg8 : memref<125x128xf32, #tpu.memory_space<vmem>>) target(%dma_start3A_77 : memref<10000x128xf32, #tpu.memory_space<vmem_shared>>) offsets(%dma_start3A_74 : memref<125xi32, #tpu.memory_space<vmem>>) semaphore(%arg12 : memref<!tpu.dma_semaphore, #tpu.memory_space<semaphore_mem>>) {add = true}
        %mul3A_78 = arith.constant 2 : i32
        %mul3A_79 = arith.muli %mul3A_78, %scan3A_51 : i32
        %add3A_80 = arith.constant 1 : i32
        %add3A_81 = arith.addi %mul3A_79, %add3A_80 : i32
        %ge3A_82 = arith.constant 1 : i32
        %ge3A_83 = arith.cmpi sge, %add3A_81, %ge3A_82 : i32
        %le3A_84 = arith.constant 14 : i32
        %le3A_85 = arith.cmpi sle, %add3A_81, %le3A_84 : i32
        %and3A_86 = arith.andi %ge3A_83, %le3A_85 : i1
        %convert_element_type3A_87 = arith.extui %and3A_86 : i1 to i32
        %cond3A_88 = arith.constant 0 : i32
        %cond3A_89 = arith.cmpi ne, %convert_element_type3A_87, %cond3A_88 : i32
        scf.if %cond3A_89 {
          %dma_wait3A_107 = arith.constant 0 : i32
          %dma_wait3A_108 = arith.constant 0 : i32
          %dma_wait3A_109 = tpu.memref_slice %arg7[%dma_wait3A_107, %dma_wait3A_108] : memref<16x125xi32, #tpu.memory_space<vmem>> -> memref<1x125xi32, #tpu.memory_space<vmem>>
          %dma_wait3A_110 = tpu.memref_squeeze %dma_wait3A_109 : memref<1x125xi32, #tpu.memory_space<vmem>> -> memref<125xi32, #tpu.memory_space<vmem>>
          %dma_wait3A_111 = arith.constant 0 : i32
          %dma_wait3A_112 = arith.constant 0 : i32
          %dma_wait3A_113 = tpu.memref_slice %arg14[%dma_wait3A_111, %dma_wait3A_112] : memref<10000x128xf32, #tpu.memory_space<vmem_shared>> -> memref<10000x128xf32, #tpu.memory_space<vmem_shared>>
          tpu.wait_indirect_dma semaphore(%arg12 : memref<!tpu.dma_semaphore, #tpu.memory_space<semaphore_mem>>) src(%arg8 : memref<125x128xf32, #tpu.memory_space<vmem>>) dst(%dma_wait3A_113 : memref<10000x128xf32, #tpu.memory_space<vmem_shared>>)
          %add3A_114 = arith.constant 1 : i32
          %add3A_115 = arith.addi %add3A_81, %add3A_114 : i32
          %dma_start3A_116 = arith.constant 0 : i32
          %dma_start3A_117 = tpu.memref_slice %arg6[%add3A_115, %dma_start3A_116] : memref<16x125xi32, #tpu.memory_space<vmem>> -> memref<1x125xi32, #tpu.memory_space<vmem>>
          %dma_start3A_118 = tpu.memref_squeeze %dma_start3A_117 : memref<1x125xi32, #tpu.memory_space<vmem>> -> memref<125xi32, #tpu.memory_space<vmem>>
          %dma_start3A_119 = arith.constant 0 : i32
          %dma_start3A_120 = arith.constant 0 : i32
          %dma_start3A_121 = tpu.memref_slice %arg2[%dma_start3A_119, %dma_start3A_120] : memref<10000x128xf32, #tpu.memory_space<hbm>> -> memref<10000x128xf32, #tpu.memory_space<hbm>>
          tpu.enqueue_indirect_dma source(%dma_start3A_121 : memref<10000x128xf32, #tpu.memory_space<hbm>>) target(%arg8 : memref<125x128xf32, #tpu.memory_space<vmem>>) offsets(%dma_start3A_118 : memref<125xi32, #tpu.memory_space<vmem>>) semaphore(%arg10 : memref<!tpu.dma_semaphore, #tpu.memory_space<semaphore_mem>>)
        } else {
        }
        %eq3A_90 = arith.constant 0 : i32
        %eq3A_91 = arith.cmpi eq, %add3A_81, %eq3A_90 : i32
        %convert_element_type3A_92 = arith.extui %eq3A_91 : i1 to i32
        %cond3A_93 = arith.constant 0 : i32
        %cond3A_94 = arith.cmpi ne, %convert_element_type3A_92, %cond3A_93 : i32
        scf.if %cond3A_94 {
          %dma_start3A_107 = arith.constant 1 : i32
          %dma_start3A_108 = arith.constant 0 : i32
          %dma_start3A_109 = tpu.memref_slice %arg6[%dma_start3A_107, %dma_start3A_108] : memref<16x125xi32, #tpu.memory_space<vmem>> -> memref<1x125xi32, #tpu.memory_space<vmem>>
          %dma_start3A_110 = tpu.memref_squeeze %dma_start3A_109 : memref<1x125xi32, #tpu.memory_space<vmem>> -> memref<125xi32, #tpu.memory_space<vmem>>
          %dma_start3A_111 = arith.constant 0 : i32
          %dma_start3A_112 = arith.constant 0 : i32
          %dma_start3A_113 = tpu.memref_slice %arg2[%dma_start3A_111, %dma_start3A_112] : memref<10000x128xf32, #tpu.memory_space<hbm>> -> memref<10000x128xf32, #tpu.memory_space<hbm>>
          tpu.enqueue_indirect_dma source(%dma_start3A_113 : memref<10000x128xf32, #tpu.memory_space<hbm>>) target(%arg9 : memref<125x128xf32, #tpu.memory_space<vmem>>) offsets(%dma_start3A_110 : memref<125xi32, #tpu.memory_space<vmem>>) semaphore(%arg11 : memref<!tpu.dma_semaphore, #tpu.memory_space<semaphore_mem>>)
        } else {
        }
        %dma_wait3A_95 = arith.constant 0 : i32
        %dma_wait3A_96 = tpu.memref_slice %arg6[%add3A_81, %dma_wait3A_95] : memref<16x125xi32, #tpu.memory_space<vmem>> -> memref<1x125xi32, #tpu.memory_space<vmem>>
        %dma_wait3A_97 = tpu.memref_squeeze %dma_wait3A_96 : memref<1x125xi32, #tpu.memory_space<vmem>> -> memref<125xi32, #tpu.memory_space<vmem>>
        %dma_wait3A_98 = arith.constant 0 : i32
        %dma_wait3A_99 = arith.constant 0 : i32
        %dma_wait3A_100 = tpu.memref_slice %arg2[%dma_wait3A_98, %dma_wait3A_99] : memref<10000x128xf32, #tpu.memory_space<hbm>> -> memref<10000x128xf32, #tpu.memory_space<hbm>>
        tpu.wait_indirect_dma semaphore(%arg11 : memref<!tpu.dma_semaphore, #tpu.memory_space<semaphore_mem>>) src(%dma_wait3A_100 : memref<10000x128xf32, #tpu.memory_space<hbm>>) dst(%arg9 : memref<125x128xf32, #tpu.memory_space<vmem>>)
        %dma_start3A_101 = arith.constant 0 : i32
        %dma_start3A_102 = tpu.memref_slice %arg7[%add3A_81, %dma_start3A_101] : memref<16x125xi32, #tpu.memory_space<vmem>> -> memref<1x125xi32, #tpu.memory_space<vmem>>
        %dma_start3A_103 = tpu.memref_squeeze %dma_start3A_102 : memref<1x125xi32, #tpu.memory_space<vmem>> -> memref<125xi32, #tpu.memory_space<vmem>>
        %dma_start3A_104 = arith.constant 0 : i32
        %dma_start3A_105 = arith.constant 0 : i32
        %dma_start3A_106 = tpu.memref_slice %arg14[%dma_start3A_104, %dma_start3A_105] : memref<10000x128xf32, #tpu.memory_space<vmem_shared>> -> memref<10000x128xf32, #tpu.memory_space<vmem_shared>>
        tpu.enqueue_indirect_dma source(%arg9 : memref<125x128xf32, #tpu.memory_space<vmem>>) target(%dma_start3A_106 : memref<10000x128xf32, #tpu.memory_space<vmem_shared>>) offsets(%dma_start3A_103 : memref<125xi32, #tpu.memory_space<vmem>>) semaphore(%arg13 : memref<!tpu.dma_semaphore, #tpu.memory_space<semaphore_mem>>) {add = true}
      }
      %scan3A_37 = arith.constant 8 : i32
      %dma_wait3A = arith.constant 0 : i32
      %dma_wait3A_38 = arith.constant 0 : i32
      %dma_wait3A_39 = tpu.memref_slice %arg7[%dma_wait3A, %dma_wait3A_38] : memref<16x125xi32, #tpu.memory_space<vmem>> -> memref<1x125xi32, #tpu.memory_space<vmem>>
      %dma_wait3A_40 = tpu.memref_squeeze %dma_wait3A_39 : memref<1x125xi32, #tpu.memory_space<vmem>> -> memref<125xi32, #tpu.memory_space<vmem>>
      %dma_wait3A_41 = arith.constant 0 : i32
      %dma_wait3A_42 = arith.constant 0 : i32
      %dma_wait3A_43 = tpu.memref_slice %arg14[%dma_wait3A_41, %dma_wait3A_42] : memref<10000x128xf32, #tpu.memory_space<vmem_shared>> -> memref<10000x128xf32, #tpu.memory_space<vmem_shared>>
      tpu.wait_indirect_dma semaphore(%arg12 : memref<!tpu.dma_semaphore, #tpu.memory_space<semaphore_mem>>) src(%arg8 : memref<125x128xf32, #tpu.memory_space<vmem>>) dst(%dma_wait3A_43 : memref<10000x128xf32, #tpu.memory_space<vmem_shared>>)
      %dma_wait3A_44 = arith.constant 0 : i32
      %dma_wait3A_45 = arith.constant 0 : i32
      %dma_wait3A_46 = tpu.memref_slice %arg7[%dma_wait3A_44, %dma_wait3A_45] : memref<16x125xi32, #tpu.memory_space<vmem>> -> memref<1x125xi32, #tpu.memory_space<vmem>>
      %dma_wait3A_47 = tpu.memref_squeeze %dma_wait3A_46 : memref<1x125xi32, #tpu.memory_space<vmem>> -> memref<125xi32, #tpu.memory_space<vmem>>
      %dma_wait3A_48 = arith.constant 0 : i32
      %dma_wait3A_49 = arith.constant 0 : i32
      %dma_wait3A_50 = tpu.memref_slice %arg14[%dma_wait3A_48, %dma_wait3A_49] : memref<10000x128xf32, #tpu.memory_space<vmem_shared>> -> memref<10000x128xf32, #tpu.memory_space<vmem_shared>>
      tpu.wait_indirect_dma semaphore(%arg13 : memref<!tpu.dma_semaphore, #tpu.memory_space<semaphore_mem>>) src(%arg9 : memref<125x128xf32, #tpu.memory_space<vmem>>) dst(%dma_wait3A_50 : memref<10000x128xf32, #tpu.memory_space<vmem_shared>>)
    }
    %scan3A_9 = arith.constant 5 : i32
    %barrier3A_10 = arith.constant 0 : index
    tpu.barrier barrier_id(%barrier3A_10)
    %mul3A_11 = arith.constant 624 : i32
    %mul3A_12 = arith.muli %arg1, %mul3A_11 : i32
    %mul3A_13 = arith.constant 624 : i32
    %mul3A_14 = arith.muli %arg1, %mul3A_13 : i32
    "tpu.region"() ({
      %run_scoped3A = tpu.sem_alloc : memref<!tpu.dma_semaphore, #tpu.memory_space<semaphore_mem>>
      %dma_start3A = arith.constant 0 : i32
      %dma_start3A_20 = tpu.memref_slice %arg5[%arg0, %mul3A_14, %dma_start3A] : memref<2x10000x128xf32, #tpu.memory_space<hbm>> -> memref<1x624x128xf32, #tpu.memory_space<hbm>>
      %dma_start3A_21 = tpu.memref_squeeze %dma_start3A_20 : memref<1x624x128xf32, #tpu.memory_space<hbm>> -> memref<624x128xf32, #tpu.memory_space<hbm>>
      %dma_start3A_22 = arith.constant 0 : i32
      %dma_start3A_23 = tpu.memref_slice %arg14[%mul3A_12, %dma_start3A_22] : memref<10000x128xf32, #tpu.memory_space<vmem_shared>> -> memref<624x128xf32, #tpu.memory_space<vmem_shared>>
      tpu.enqueue_dma source(%dma_start3A_23 : memref<624x128xf32, #tpu.memory_space<vmem_shared>>) target(%dma_start3A_21 : memref<624x128xf32, #tpu.memory_space<hbm>>) target_semaphore(%run_scoped3A : memref<!tpu.dma_semaphore, #tpu.memory_space<semaphore_mem>>)
      %dma_wait3A = arith.constant 0 : i32
      %dma_wait3A_24 = tpu.memref_slice %arg5[%arg0, %mul3A_14, %dma_wait3A] : memref<2x10000x128xf32, #tpu.memory_space<hbm>> -> memref<1x624x128xf32, #tpu.memory_space<hbm>>
      %dma_wait3A_25 = tpu.memref_squeeze %dma_wait3A_24 : memref<1x624x128xf32, #tpu.memory_space<hbm>> -> memref<624x128xf32, #tpu.memory_space<hbm>>
      %dma_wait3A_26 = arith.constant 0 : i32
      %dma_wait3A_27 = tpu.memref_slice %arg14[%mul3A_12, %dma_wait3A_26] : memref<10000x128xf32, #tpu.memory_space<vmem_shared>> -> memref<624x128xf32, #tpu.memory_space<vmem_shared>>
      tpu.wait_dma2 semaphore(%run_scoped3A : memref<!tpu.dma_semaphore, #tpu.memory_space<semaphore_mem>>) src(%dma_wait3A_27 : memref<624x128xf32, #tpu.memory_space<vmem_shared>>) dst(%dma_wait3A_25 : memref<624x128xf32, #tpu.memory_space<hbm>>)
      tpu.yield
    }) : () -> ()
    %eq3A_15 = arith.constant 0 : i32
    %eq3A_16 = arith.cmpi eq, %arg1, %eq3A_15 : i32
    %convert_element_type3A_17 = arith.extui %eq3A_16 : i1 to i32
    %cond3A_18 = arith.constant 0 : i32
    %cond3A_19 = arith.cmpi ne, %convert_element_type3A_17, %cond3A_18 : i32
    scf.if %cond3A_19 {
      "tpu.region"() ({
        %run_scoped3A = tpu.sem_alloc : memref<!tpu.dma_semaphore, #tpu.memory_space<semaphore_mem>>
        %dma_start3A = arith.constant 9984 : i32
        %dma_start3A_20 = arith.constant 0 : i32
        %dma_start3A_21 = tpu.memref_slice %arg5[%arg0, %dma_start3A, %dma_start3A_20] : memref<2x10000x128xf32, #tpu.memory_space<hbm>> -> memref<1x16x128xf32, #tpu.memory_space<hbm>>
        %dma_start3A_22 = tpu.memref_squeeze %dma_start3A_21 : memref<1x16x128xf32, #tpu.memory_space<hbm>> -> memref<16x128xf32, #tpu.memory_space<hbm>>
        %dma_start3A_23 = arith.constant 9984 : i32
        %dma_start3A_24 = arith.constant 0 : i32
        %dma_start3A_25 = tpu.memref_slice %arg14[%dma_start3A_23, %dma_start3A_24] : memref<10000x128xf32, #tpu.memory_space<vmem_shared>> -> memref<16x128xf32, #tpu.memory_space<vmem_shared>>
        tpu.enqueue_dma source(%dma_start3A_25 : memref<16x128xf32, #tpu.memory_space<vmem_shared>>) target(%dma_start3A_22 : memref<16x128xf32, #tpu.memory_space<hbm>>) target_semaphore(%run_scoped3A : memref<!tpu.dma_semaphore, #tpu.memory_space<semaphore_mem>>)
        %dma_wait3A = arith.constant 9984 : i32
        %dma_wait3A_26 = arith.constant 0 : i32
        %dma_wait3A_27 = tpu.memref_slice %arg5[%arg0, %dma_wait3A, %dma_wait3A_26] : memref<2x10000x128xf32, #tpu.memory_space<hbm>> -> memref<1x16x128xf32, #tpu.memory_space<hbm>>
        %dma_wait3A_28 = tpu.memref_squeeze %dma_wait3A_27 : memref<1x16x128xf32, #tpu.memory_space<hbm>> -> memref<16x128xf32, #tpu.memory_space<hbm>>
        %dma_wait3A_29 = arith.constant 9984 : i32
        %dma_wait3A_30 = arith.constant 0 : i32
        %dma_wait3A_31 = tpu.memref_slice %arg14[%dma_wait3A_29, %dma_wait3A_30] : memref<10000x128xf32, #tpu.memory_space<vmem_shared>> -> memref<16x128xf32, #tpu.memory_space<vmem_shared>>
        tpu.wait_dma2 semaphore(%run_scoped3A : memref<!tpu.dma_semaphore, #tpu.memory_space<semaphore_mem>>) src(%dma_wait3A_31 : memref<16x128xf32, #tpu.memory_space<vmem_shared>>) dst(%dma_wait3A_28 : memref<16x128xf32, #tpu.memory_space<hbm>>)
        tpu.yield
      }) : () -> ()
    } else {
    }
    return
  }
}

#map = affine_map<(d0, d1) -> (0, 0, 0, 0)>
#map1 = affine_map<(d0, d1) -> (0)>
#map2 = affine_map<(d0, d1) -> (0, 0)>
module attributes {stable_mosaic.version = 14 : i64} {
  func.func @sc_degree_hist(%arg0: i32, %arg1: i32, %arg2: memref<2x32x80x125xi32, #tpu.memory_space<hbm>>, %arg3: memref<125xf32, #tpu.memory_space<hbm>>, %arg4: memref<10000xf32, #tpu.memory_space<hbm>>, %arg5: memref<2x10000xf32, #tpu.memory_space<hbm>>, %arg6: memref<80x125xi32, #tpu.memory_space<vmem>>, %arg7: memref<125xf32, #tpu.memory_space<vmem>>, %arg8: memref<10000xf32, #tpu.memory_space<vmem_shared>>) attributes {dimension_semantics = [#tpu.dimension_semantics<core_parallel>, #tpu.dimension_semantics<subcore_parallel>], iteration_bounds = array<i64: 2, 16>, scalar_prefetch = 0 : i64, scratch_operands = 3 : i64, tpu.core_type = #tpu.core_type<sc_vector_subcore>, window_params = [{transform_indices = #map}, {transform_indices = #map1}, {transform_indices = #map1}, {transform_indices = #map2}]} {
    %mul3A = arith.constant 16 : i32
    %mul3A_0 = arith.muli %arg0, %mul3A : i32
    %add3A = arith.addi %mul3A_0, %arg1 : i32
    %run_scoped3A = arith.constant 1 : i32
    "tpu.region"() ({
      %run_scoped3A_14 = tpu.sem_alloc : memref<!tpu.dma_semaphore, #tpu.memory_space<semaphore_mem>>
      %dma_start3A = arith.constant 0 : i32
      %dma_start3A_15 = arith.constant 0 : i32
      %dma_start3A_16 = tpu.memref_slice %arg2[%run_scoped3A, %add3A, %dma_start3A, %dma_start3A_15] : memref<2x32x80x125xi32, #tpu.memory_space<hbm>> -> memref<1x1x80x125xi32, #tpu.memory_space<hbm>>
      %dma_start3A_17 = tpu.memref_squeeze %dma_start3A_16 : memref<1x1x80x125xi32, #tpu.memory_space<hbm>> -> memref<80x125xi32, #tpu.memory_space<hbm>>
      %dma_start3A_18 = arith.constant 0 : i32
      %dma_start3A_19 = arith.constant 0 : i32
      %dma_start3A_20 = tpu.memref_slice %arg2[%run_scoped3A, %add3A, %dma_start3A_18, %dma_start3A_19] : memref<2x32x80x125xi32, #tpu.memory_space<hbm>> -> memref<1x1x80x125xi32, #tpu.memory_space<hbm>>
      %dma_start3A_21 = tpu.memref_squeeze %dma_start3A_20 : memref<1x1x80x125xi32, #tpu.memory_space<hbm>> -> memref<80x125xi32, #tpu.memory_space<hbm>>
      tpu.enqueue_dma source(%dma_start3A_21 : memref<80x125xi32, #tpu.memory_space<hbm>>) target(%arg6 : memref<80x125xi32, #tpu.memory_space<vmem>>) target_semaphore(%run_scoped3A_14 : memref<!tpu.dma_semaphore, #tpu.memory_space<semaphore_mem>>)
      %dma_wait3A = arith.constant 0 : i32
      %dma_wait3A_22 = arith.constant 0 : i32
      %dma_wait3A_23 = tpu.memref_slice %arg2[%run_scoped3A, %add3A, %dma_wait3A, %dma_wait3A_22] : memref<2x32x80x125xi32, #tpu.memory_space<hbm>> -> memref<1x1x80x125xi32, #tpu.memory_space<hbm>>
      %dma_wait3A_24 = tpu.memref_squeeze %dma_wait3A_23 : memref<1x1x80x125xi32, #tpu.memory_space<hbm>> -> memref<80x125xi32, #tpu.memory_space<hbm>>
      %dma_wait3A_25 = arith.constant 0 : i32
      %dma_wait3A_26 = arith.constant 0 : i32
      %dma_wait3A_27 = tpu.memref_slice %arg2[%run_scoped3A, %add3A, %dma_wait3A_25, %dma_wait3A_26] : memref<2x32x80x125xi32, #tpu.memory_space<hbm>> -> memref<1x1x80x125xi32, #tpu.memory_space<hbm>>
      %dma_wait3A_28 = tpu.memref_squeeze %dma_wait3A_27 : memref<1x1x80x125xi32, #tpu.memory_space<hbm>> -> memref<80x125xi32, #tpu.memory_space<hbm>>
      tpu.wait_dma2 semaphore(%run_scoped3A_14 : memref<!tpu.dma_semaphore, #tpu.memory_space<semaphore_mem>>) src(%dma_wait3A_28 : memref<80x125xi32, #tpu.memory_space<hbm>>) dst(%arg6 : memref<80x125xi32, #tpu.memory_space<vmem>>)
      tpu.yield
    }) : () -> ()
    "tpu.region"() ({
      %run_scoped3A_14 = tpu.sem_alloc : memref<!tpu.dma_semaphore, #tpu.memory_space<semaphore_mem>>
      tpu.enqueue_dma source(%arg3 : memref<125xf32, #tpu.memory_space<hbm>>) target(%arg7 : memref<125xf32, #tpu.memory_space<vmem>>) target_semaphore(%run_scoped3A_14 : memref<!tpu.dma_semaphore, #tpu.memory_space<semaphore_mem>>)
      tpu.wait_dma2 semaphore(%run_scoped3A_14 : memref<!tpu.dma_semaphore, #tpu.memory_space<semaphore_mem>>) src(%arg3 : memref<125xf32, #tpu.memory_space<hbm>>) dst(%arg7 : memref<125xf32, #tpu.memory_space<vmem>>)
      tpu.yield
    }) : () -> ()
    %eq3A = arith.constant 0 : i32
    %eq3A_1 = arith.cmpi eq, %arg1, %eq3A : i32
    %convert_element_type3A = arith.extui %eq3A_1 : i1 to i32
    %cond3A = arith.constant 0 : i32
    %cond3A_2 = arith.cmpi ne, %convert_element_type3A, %cond3A : i32
    scf.if %cond3A_2 {
      "tpu.region"() ({
        %run_scoped3A_14 = tpu.sem_alloc : memref<!tpu.dma_semaphore, #tpu.memory_space<semaphore_mem>>
        tpu.enqueue_dma source(%arg4 : memref<10000xf32, #tpu.memory_space<hbm>>) target(%arg8 : memref<10000xf32, #tpu.memory_space<vmem_shared>>) target_semaphore(%run_scoped3A_14 : memref<!tpu.dma_semaphore, #tpu.memory_space<semaphore_mem>>)
        tpu.wait_dma2 semaphore(%run_scoped3A_14 : memref<!tpu.dma_semaphore, #tpu.memory_space<semaphore_mem>>) src(%arg4 : memref<10000xf32, #tpu.memory_space<hbm>>) dst(%arg8 : memref<10000xf32, #tpu.memory_space<vmem_shared>>)
        tpu.yield
      }) : () -> ()
    } else {
    }
    %barrier3A = arith.constant 0 : index
    tpu.barrier barrier_id(%barrier3A)
    %scan3A = arith.constant 0 : i32
    %scan3A_3 = arith.constant 0 : i32
    %scan3A_4 = arith.constant 80 : i32
    %scan3A_5 = arith.addi %scan3A_3, %scan3A_4 : i32
    %scan3A_6 = arith.constant 1 : i32
    scf.for %scan3A_14 = %scan3A_3 to %scan3A_5 step %scan3A_6  : i32 {
      "tpu.region"() ({
        %run_scoped3A_15 = tpu.sem_alloc : memref<!tpu.dma_semaphore, #tpu.memory_space<semaphore_mem>>
        %dma_start3A = arith.constant 0 : i32
        %dma_start3A_16 = tpu.memref_slice %arg6[%scan3A_14, %dma_start3A] : memref<80x125xi32, #tpu.memory_space<vmem>> -> memref<1x125xi32, #tpu.memory_space<vmem>>
        %dma_start3A_17 = tpu.memref_squeeze %dma_start3A_16 : memref<1x125xi32, #tpu.memory_space<vmem>> -> memref<125xi32, #tpu.memory_space<vmem>>
        %dma_start3A_18 = arith.constant 0 : i32
        %dma_start3A_19 = tpu.memref_slice %arg8[%dma_start3A_18] : memref<10000xf32, #tpu.memory_space<vmem_shared>> -> memref<10000xf32, #tpu.memory_space<vmem_shared>>
        tpu.enqueue_indirect_dma source(%arg7 : memref<125xf32, #tpu.memory_space<vmem>>) target(%dma_start3A_19 : memref<10000xf32, #tpu.memory_space<vmem_shared>>) offsets(%dma_start3A_17 : memref<125xi32, #tpu.memory_space<vmem>>) semaphore(%run_scoped3A_15 : memref<!tpu.dma_semaphore, #tpu.memory_space<semaphore_mem>>) {add = true}
        %dma_wait3A = arith.constant 0 : i32
        %dma_wait3A_20 = tpu.memref_slice %arg6[%scan3A_14, %dma_wait3A] : memref<80x125xi32, #tpu.memory_space<vmem>> -> memref<1x125xi32, #tpu.memory_space<vmem>>
        %dma_wait3A_21 = tpu.memref_squeeze %dma_wait3A_20 : memref<1x125xi32, #tpu.memory_space<vmem>> -> memref<125xi32, #tpu.memory_space<vmem>>
        %dma_wait3A_22 = arith.constant 0 : i32
        %dma_wait3A_23 = tpu.memref_slice %arg8[%dma_wait3A_22] : memref<10000xf32, #tpu.memory_space<vmem_shared>> -> memref<10000xf32, #tpu.memory_space<vmem_shared>>
        tpu.wait_indirect_dma semaphore(%run_scoped3A_15 : memref<!tpu.dma_semaphore, #tpu.memory_space<semaphore_mem>>) src(%arg7 : memref<125xf32, #tpu.memory_space<vmem>>) dst(%dma_wait3A_23 : memref<10000xf32, #tpu.memory_space<vmem_shared>>)
        tpu.yield
      }) : () -> ()
    }
    %scan3A_7 = arith.constant 80 : i32
    %barrier3A_8 = arith.constant 0 : index
    tpu.barrier barrier_id(%barrier3A_8)
    %eq3A_9 = arith.constant 0 : i32
    %eq3A_10 = arith.cmpi eq, %arg1, %eq3A_9 : i32
    %convert_element_type3A_11 = arith.extui %eq3A_10 : i1 to i32
    %cond3A_12 = arith.constant 0 : i32
    %cond3A_13 = arith.cmpi ne, %convert_element_type3A_11, %cond3A_12 : i32
    scf.if %cond3A_13 {
      "tpu.region"() ({
        %run_scoped3A_14 = tpu.sem_alloc : memref<!tpu.dma_semaphore, #tpu.memory_space<semaphore_mem>>
        %dma_start3A = arith.constant 0 : i32
        %dma_start3A_15 = tpu.memref_slice %arg5[%arg0, %dma_start3A] : memref<2x10000xf32, #tpu.memory_space<hbm>> -> memref<1x10000xf32, #tpu.memory_space<hbm>>
        %dma_start3A_16 = tpu.memref_squeeze %dma_start3A_15 : memref<1x10000xf32, #tpu.memory_space<hbm>> -> memref<10000xf32, #tpu.memory_space<hbm>>
        tpu.enqueue_dma source(%arg8 : memref<10000xf32, #tpu.memory_space<vmem_shared>>) target(%dma_start3A_16 : memref<10000xf32, #tpu.memory_space<hbm>>) target_semaphore(%run_scoped3A_14 : memref<!tpu.dma_semaphore, #tpu.memory_space<semaphore_mem>>)
        %dma_wait3A = arith.constant 0 : i32
        %dma_wait3A_17 = tpu.memref_slice %arg5[%arg0, %dma_wait3A] : memref<2x10000xf32, #tpu.memory_space<hbm>> -> memref<1x10000xf32, #tpu.memory_space<hbm>>
        %dma_wait3A_18 = tpu.memref_squeeze %dma_wait3A_17 : memref<1x10000xf32, #tpu.memory_space<hbm>> -> memref<10000xf32, #tpu.memory_space<hbm>>
        tpu.wait_dma2 semaphore(%run_scoped3A_14 : memref<!tpu.dma_semaphore, #tpu.memory_space<semaphore_mem>>) src(%arg8 : memref<10000xf32, #tpu.memory_space<vmem_shared>>) dst(%dma_wait3A_18 : memref<10000xf32, #tpu.memory_space<hbm>>)
        tpu.yield
      }) : () -> ()
    } else {
    }
    return
  }
}

module attributes {stable_mosaic.version = 14 : i64} {
  func.func @_mm_body(%arg0: i32, %arg1: memref<2000x128xf32, #tpu.memory_space<vmem>>, %arg2: memref<128x128xf32, #tpu.memory_space<vmem>>, %arg3: memref<2000x128xf32, #tpu.memory_space<vmem>>) attributes {dimension_semantics = [#tpu.dimension_semantics<arbitrary>], iteration_bounds = array<i64: 5>, scalar_prefetch = 0 : i64, scratch_operands = 0 : i64, tpu.core_type = #tpu.core_type<tc>, window_params = [{transform_indices = @transform_0, window_bounds = array<i64: 2000, 128>}, {pipeline_mode = #tpu.pipeline_mode<synchronous>, transform_indices = @transform_1, window_bounds = array<i64: 128, 128>}, {transform_indices = @transform_2, window_bounds = array<i64: 2000, 128>}]} {
    %get3A = arith.constant 0 : index
    %get3A_0 = arith.constant 0 : index
    %get3A_1 = vector.load %arg1[%get3A, %get3A_0] : memref<2000x128xf32, #tpu.memory_space<vmem>>, vector<2000x128xf32>
    %get3A_2 = arith.constant 0 : index
    %get3A_3 = arith.constant 0 : index
    %get3A_4 = vector.load %arg2[%get3A_2, %get3A_3] : memref<128x128xf32, #tpu.memory_space<vmem>>, vector<128x128xf32>
    %dot_general3A = arith.constant dense<0.000000e+00> : vector<2000x128xf32>
    %dot_general3A_5 = tpu.matmul %get3A_1, %get3A_4, %dot_general3A {dimension_numbers = #tpu.dot_dimension_numbers<[1], [0], [0], [1], [0, 0, 1, 1], [], []>, transpose_lhs_hint = false} : vector<2000x128xf32>, vector<128x128xf32>, vector<2000x128xf32> -> vector<2000x128xf32>
    %swap3A = arith.constant 0 : index
    %swap3A_6 = arith.constant 0 : index
    %swap3A_7 = vector.load %arg3[%swap3A, %swap3A_6] : memref<2000x128xf32, #tpu.memory_space<vmem>>, vector<2000x128xf32>
    tpu.vector_store %arg3[%swap3A, %swap3A_6], %dot_general3A_5 {strides = array<i32>} : memref<2000x128xf32, #tpu.memory_space<vmem>>, vector<2000x128xf32>,
    return
  }
  func.func @transform_0(%arg0: i32) -> (i32, i32) {
    %c0_i32 = arith.constant 0 : i32
    %c0_i32_0 = arith.constant 0 : i32
    return %arg0, %c0_i32 : i32, i32
  }
  func.func @transform_1(%arg0: i32) -> (i32, i32) {
    %c0_i32 = arith.constant 0 : i32
    %c0_i32_0 = arith.constant 0 : i32
    %c0_i32_1 = arith.constant 0 : i32
    return %c0_i32, %c0_i32_0 : i32, i32
  }
  func.func @transform_2(%arg0: i32) -> (i32, i32) {
    %c0_i32 = arith.constant 0 : i32
    %c0_i32_0 = arith.constant 0 : i32
    return %arg0, %c0_i32 : i32, i32
  }
}

module attributes {stable_mosaic.version = 14 : i64} {
  func.func @_scale_body(%arg0: i32, %arg1: memref<2000x128xf32, #tpu.memory_space<vmem>>, %arg2: memref<2000x1xf32, #tpu.memory_space<vmem>>, %arg3: memref<2000x1xf32, #tpu.memory_space<vmem>>, %arg4: memref<2000x128xf32, #tpu.memory_space<vmem>>, %arg5: memref<2000x1xf32, #tpu.memory_space<vmem>>) attributes {dimension_semantics = [#tpu.dimension_semantics<arbitrary>], iteration_bounds = array<i64: 5>, scalar_prefetch = 0 : i64, scratch_operands = 0 : i64, tpu.core_type = #tpu.core_type<tc>, window_params = [{transform_indices = @transform_0, window_bounds = array<i64: 2000, 128>}, {transform_indices = @transform_1, window_bounds = array<i64: 2000, 1>}, {transform_indices = @transform_2, window_bounds = array<i64: 2000, 1>}, {transform_indices = @transform_3, window_bounds = array<i64: 2000, 128>}, {transform_indices = @transform_4, window_bounds = array<i64: 2000, 1>}]} {
    %get3A = arith.constant 0 : index
    %get3A_0 = arith.constant 0 : index
    %get3A_1 = vector.load %arg2[%get3A, %get3A_0] : memref<2000x1xf32, #tpu.memory_space<vmem>>, vector<2000x1xf32>
    %add3A = arith.constant 1.000000e+00 : f32
    %add3A_2 = vector.broadcast %add3A : f32 to vector<2000x1xf32>
    %add3A_3 = arith.addf %add3A_2, %get3A_1 : vector<2000x1xf32>
    %get3A_4 = arith.constant 0 : index
    %get3A_5 = arith.constant 0 : index
    %get3A_6 = vector.load %arg3[%get3A_4, %get3A_5] : memref<2000x1xf32, #tpu.memory_space<vmem>>, vector<2000x1xf32>
    %add3A_7 = arith.addf %add3A_3, %get3A_6 : vector<2000x1xf32>
    %rsqrt3A = math.rsqrt %add3A_7 : vector<2000x1xf32>
    %get3A_8 = arith.constant 0 : index
    %get3A_9 = arith.constant 0 : index
    %get3A_10 = vector.load %arg1[%get3A_8, %get3A_9] : memref<2000x128xf32, #tpu.memory_space<vmem>>, vector<2000x128xf32>
    %mul3A = vector.broadcast %rsqrt3A : vector<2000x1xf32> to vector<2000x128xf32>
    %mul3A_11 = arith.mulf %get3A_10, %mul3A : vector<2000x128xf32>
    %swap3A = arith.constant 0 : index
    %swap3A_12 = arith.constant 0 : index
    %swap3A_13 = vector.load %arg4[%swap3A, %swap3A_12] : memref<2000x128xf32, #tpu.memory_space<vmem>>, vector<2000x128xf32>
    tpu.vector_store %arg4[%swap3A, %swap3A_12], %mul3A_11 {strides = array<i32>} : memref<2000x128xf32, #tpu.memory_space<vmem>>, vector<2000x128xf32>,
    %swap3A_14 = arith.constant 0 : index
    %swap3A_15 = arith.constant 0 : index
    %swap3A_16 = vector.load %arg5[%swap3A_14, %swap3A_15] : memref<2000x1xf32, #tpu.memory_space<vmem>>, vector<2000x1xf32>
    tpu.vector_store %arg5[%swap3A_14, %swap3A_15], %rsqrt3A {strides = array<i32>} : memref<2000x1xf32, #tpu.memory_space<vmem>>, vector<2000x1xf32>,
    return
  }
  func.func @transform_0(%arg0: i32) -> (i32, i32) {
    %c0_i32 = arith.constant 0 : i32
    %c0_i32_0 = arith.constant 0 : i32
    return %arg0, %c0_i32 : i32, i32
  }
  func.func @transform_1(%arg0: i32) -> (i32, i32) {
    %c0_i32 = arith.constant 0 : i32
    %c0_i32_0 = arith.constant 0 : i32
    return %arg0, %c0_i32 : i32, i32
  }
  func.func @transform_2(%arg0: i32) -> (i32, i32) {
    %c0_i32 = arith.constant 0 : i32
    %c0_i32_0 = arith.constant 0 : i32
    return %arg0, %c0_i32 : i32, i32
  }
  func.func @transform_3(%arg0: i32) -> (i32, i32) {
    %c0_i32 = arith.constant 0 : i32
    %c0_i32_0 = arith.constant 0 : i32
    return %arg0, %c0_i32 : i32, i32
  }
  func.func @transform_4(%arg0: i32) -> (i32, i32) {
    %c0_i32 = arith.constant 0 : i32
    %c0_i32_0 = arith.constant 0 : i32
    return %arg0, %c0_i32 : i32, i32
  }
}

module attributes {stable_mosaic.version = 14 : i64} {
  func.func @_fin_body(%arg0: i32, %arg1: memref<2x2000x128xf32, #tpu.memory_space<vmem>>, %arg2: memref<2000x128xf32, #tpu.memory_space<vmem>>, %arg3: memref<2000x1xf32, #tpu.memory_space<vmem>>, %arg4: memref<1x128xf32, #tpu.memory_space<vmem>>, %arg5: memref<1x128xf32, #tpu.memory_space<vmem>>, %arg6: memref<2000x128xf32, #tpu.memory_space<vmem>>) attributes {dimension_semantics = [#tpu.dimension_semantics<arbitrary>], iteration_bounds = array<i64: 5>, scalar_prefetch = 0 : i64, scratch_operands = 0 : i64, tpu.core_type = #tpu.core_type<tc>, window_params = [{transform_indices = @transform_0, window_bounds = array<i64: 2, 2000, 128>}, {transform_indices = @transform_1, window_bounds = array<i64: 2000, 128>}, {transform_indices = @transform_2, window_bounds = array<i64: 2000, 1>}, {pipeline_mode = #tpu.pipeline_mode<synchronous>, transform_indices = @transform_3, window_bounds = array<i64: 1, 128>}, {pipeline_mode = #tpu.pipeline_mode<synchronous>, transform_indices = @transform_4, window_bounds = array<i64: 1, 128>}, {transform_indices = @transform_5, window_bounds = array<i64: 2000, 128>}]} {
    %get3A = arith.constant 0 : index
    %get3A_0 = arith.constant 0 : index
    %get3A_1 = arith.constant 0 : index
    %get3A_2 = vector.load %arg1[%get3A, %get3A_0, %get3A_1] : memref<2x2000x128xf32, #tpu.memory_space<vmem>>, vector<1x2000x128xf32>
    %get3A_3 = vector.shape_cast %get3A_2 : vector<1x2000x128xf32> to vector<2000x128xf32>
    %get3A_4 = arith.constant 1 : index
    %get3A_5 = arith.constant 0 : index
    %get3A_6 = arith.constant 0 : index
    %get3A_7 = vector.load %arg1[%get3A_4, %get3A_5, %get3A_6] : memref<2x2000x128xf32, #tpu.memory_space<vmem>>, vector<1x2000x128xf32>
    %get3A_8 = vector.shape_cast %get3A_7 : vector<1x2000x128xf32> to vector<2000x128xf32>
    %add3A = arith.addf %get3A_3, %get3A_8 : vector<2000x128xf32>
    %get3A_9 = arith.constant 0 : index
    %get3A_10 = arith.constant 0 : index
    %get3A_11 = vector.load %arg2[%get3A_9, %get3A_10] : memref<2000x128xf32, #tpu.memory_space<vmem>>, vector<2000x128xf32>
    %add3A_12 = arith.addf %add3A, %get3A_11 : vector<2000x128xf32>
    %get3A_13 = arith.constant 0 : index
    %get3A_14 = arith.constant 0 : index
    %get3A_15 = vector.load %arg3[%get3A_13, %get3A_14] : memref<2000x1xf32, #tpu.memory_space<vmem>>, vector<2000x1xf32>
    %mul3A = vector.broadcast %get3A_15 : vector<2000x1xf32> to vector<2000x128xf32>
    %mul3A_16 = arith.mulf %add3A_12, %mul3A : vector<2000x128xf32>
    %get3A_17 = arith.constant 0 : index
    %get3A_18 = arith.constant 0 : index
    %get3A_19 = vector.load %arg4[%get3A_17, %get3A_18] : memref<1x128xf32, #tpu.memory_space<vmem>>, vector<1x128xf32>
    %add3A_20 = vector.broadcast %get3A_19 : vector<1x128xf32> to vector<2000x128xf32>
    %add3A_21 = arith.addf %mul3A_16, %add3A_20 : vector<2000x128xf32>
    %ge3A = arith.constant 0.000000e+00 : f32
    %ge3A_22 = vector.broadcast %ge3A : f32 to vector<2000x128xf32>
    %ge3A_23 = arith.cmpf oge, %add3A_21, %ge3A_22 : vector<2000x128xf32>
    %get3A_24 = arith.constant 0 : index
    %get3A_25 = arith.constant 0 : index
    %get3A_26 = vector.load %arg5[%get3A_24, %get3A_25] : memref<1x128xf32, #tpu.memory_space<vmem>>, vector<1x128xf32>
    %mul3A_27 = vector.broadcast %get3A_26 : vector<1x128xf32> to vector<2000x128xf32>
    %mul3A_28 = arith.mulf %mul3A_27, %add3A_21 : vector<2000x128xf32>
    %select_n3A = arith.select %ge3A_23, %add3A_21, %mul3A_28 : vector<2000x128xi1>, vector<2000x128xf32>
    %mul3A_29 = arith.mulf %select_n3A, %select_n3A : vector<2000x128xf32>
    %reduce_sum3A = arith.constant dense<0.000000e+00> : vector<2000xf32>
    %reduce_sum3A_30 = vector.multi_reduction <add>, %mul3A_29, %reduce_sum3A [1] : vector<2000x128xf32> to vector<2000xf32>
    %broadcast_in_dim3A = vector.shape_cast %reduce_sum3A_30 : vector<2000xf32> to vector<2000x1xf32>
    %sqrt3A = math.sqrt %broadcast_in_dim3A : vector<2000x1xf32>
    %max3A = arith.constant 9.99999996E-13 : f32
    %max3A_31 = vector.broadcast %max3A : f32 to vector<2000x1xf32>
    %max3A_32 = arith.maximumf %sqrt3A, %max3A_31 : vector<2000x1xf32>
    %div3A = vector.broadcast %max3A_32 : vector<2000x1xf32> to vector<2000x128xf32>
    %div3A_33 = arith.divf %select_n3A, %div3A : vector<2000x128xf32>
    %swap3A = arith.constant 0 : index
    %swap3A_34 = arith.constant 0 : index
    %swap3A_35 = vector.load %arg6[%swap3A, %swap3A_34] : memref<2000x128xf32, #tpu.memory_space<vmem>>, vector<2000x128xf32>
    tpu.vector_store %arg6[%swap3A, %swap3A_34], %div3A_33 {strides = array<i32>} : memref<2000x128xf32, #tpu.memory_space<vmem>>, vector<2000x128xf32>,
    return
  }
  func.func @transform_0(%arg0: i32) -> (i32, i32, i32) {
    %c0_i32 = arith.constant 0 : i32
    %c0_i32_0 = arith.constant 0 : i32
    %c0_i32_1 = arith.constant 0 : i32
    return %c0_i32, %arg0, %c0_i32_0 : i32, i32, i32
  }
  func.func @transform_1(%arg0: i32) -> (i32, i32) {
    %c0_i32 = arith.constant 0 : i32
    %c0_i32_0 = arith.constant 0 : i32
    return %arg0, %c0_i32 : i32, i32
  }
  func.func @transform_2(%arg0: i32) -> (i32, i32) {
    %c0_i32 = arith.constant 0 : i32
    %c0_i32_0 = arith.constant 0 : i32
    return %arg0, %c0_i32 : i32, i32
  }
  func.func @transform_3(%arg0: i32) -> (i32, i32) {
    %c0_i32 = arith.constant 0 : i32
    %c0_i32_0 = arith.constant 0 : i32
    %c0_i32_1 = arith.constant 0 : i32
    return %c0_i32, %c0_i32_0 : i32, i32
  }
  func.func @transform_4(%arg0: i32) -> (i32, i32) {
    %c0_i32 = arith.constant 0 : i32
    %c0_i32_0 = arith.constant 0 : i32
    %c0_i32_1 = arith.constant 0 : i32
    return %c0_i32, %c0_i32_0 : i32, i32
  }
  func.func @transform_5(%arg0: i32) -> (i32, i32) {
    %c0_i32 = arith.constant 0 : i32
    %c0_i32_0 = arith.constant 0 : i32
    return %arg0, %c0_i32 : i32, i32
  }
}

</mosaic_0001>

<sc_bundles>
// kernel: sc_degree_hist.3.cloned.1.call-start
scs
__scs_entry_jumppad:
0x0: {  	(pc) =	sbr.rel $0x88, $3  }
0x1: {  	(tag) =	ssettag $0x0;
	lr =	simm.s32 $0x1  }
0x2: {  	[smem:$0x3F9C] =	sst lr;
	_ =	strace $0xD0000000  }
0x3: {  	_ = 	snop  }
0x4: {  	_ = 	snop  }
0x5: {  	_ = 	snop  }
0x6: {  	_ = 	snop  }
0x7: {  	_ = 	snop  }
__scs_overlays_trampoline_lowered:
0x8: {  	[smem:$0x3FAB] =	sst s0  }
0x9: {  	[smem:$0x3FAC] =	sst s1  }
0xa: {  	[smem:$0x3FAD] =	sst s2  }
0xb: {  	[smem:$0x3FAE] =	sst s3  }
0xc: {  	[smem:$0x3FAF] =	sst s4  }
0xd: {  	[smem:$0x3FB0] =	sst s5  }
0xe: {  	[smem:$0x3FB1] =	sst s6  }
0xf: {  	[smem:$0x3FB2] =	sst s7  }
0x10: {  	[smem:$0x3FB3] =	sst s8  }
0x11: {  	[smem:$0x3FB4] =	sst s9;
	s0 =	simm.s32 @!p0 $0x0  }
0x12: {  	s1 =	sld [smem:$0x3F9A];
	s0 =	simm.s32 @p0 $0x1  }
0x13: {  	[smem:$0x3FB5] =	sst s0;
	s0 =	simm.s32 @!p1 $0x0  }
0x14: {  	s2 =	sld [smem:$0x3F99];
	s0 =	simm.s32 @p1 $0x1  }
0x15: {  	[smem:$0x3FB6] =	sst s0;
	s0 =	simm.s32 @!p2 $0x0  }
0x16: {  	s3 =	sld [smem:$0x3FDB];
	s0 =	simm.s32 @p2 $0x1  }
0x17: {  	s4 =	simm.s32 $0x1BF5;
	[smem:$0x3FB8] =	sst s0  }
0x18: {  	s0 =	sld [smem:$0x3F9B];
	_ =	swait.ge [sflag:s4], $0x0  }
0x19: {  	s7 =	sld [smem:$0x3F9C]  }
0x1a: {  	s8 =	sadd.s32 $0xFFFFE003, lr  }
0x1b: {  	s9 =	sadd.s32 $0xFFFFFEF7, lr;
	s5 =	simm.s32 $0xFFFFFFFF;
	p2 =	slt.u32 s8, $0xFFFFF086  }
0x1c: {  	p1 =	slt.u32 s9, $0xF7A;
	s5 =	simm.s32 @!p2 $0x0  }
0x1d: {  	s5 =	simm.s32 @p1 $0x1;
	p0 =	seq.s32 s7, s2  }
0x1e: {  	s7 =	smul.u32 @!p0 $0xF7A, s2;
	p2 =	seq.s32 @!p0 s5, $0x0  }
0x1f: {  	s9 =	smul.u32 $0xF7A, s1;
	s8 =	simm.s32 @!p0 $0x1BF5;
	p2 =	por !p2, p0  }
0x20: {  	[sflag:s8] =	ssyncset.s32 @!p0 $0xFFFFF086;
	s6 =	sadd.s32 @!p0 s3, s7;
	s7 =	simm.s32 @!p0 $0x108  }
0x21: {  	s3 =	sadd.s32 s3, s9;
	s6 =	sadd.s32 @!p0 $0x88, s6;
	s7 =	simm.s32 @p2 $0x1082  }
0x22: {  	[simem:s7], [sflag:s8] =	dma.local @!p0 [hbm:s6], $0xF7A  }
0x23: {  	s9 =	sor.u32 $0xD0000000, s2;
	s6 =	simm.s32 $0x108;
	_ =	swait.ge @!p0 [sflag:s8], $0x0  }
0x24: {  	s3 =	sadd.s32 $0x88, s3;
	s6 =	simm.s32 @!p1 $0x1082;
	[sflag:s4] =	ssyncset.s32 $0xFFFFF086  }
0x25: {  	[simem:s6], [sflag:s4] =	dma.local [hbm:s3], $0xF7A  }
0x26: {  	[smem:$0x3F9C] =	sst s1;
	(tag) =	ssettag s2;
	_ =	strace s9  }
0x27: {  	s1 =	sld [smem:$0x3FAC]  }
0x28: {  	s2 =	sld [smem:$0x3FAD]  }
0x29: {  	s4 =	sld [smem:$0x3FAF]  }
0x2a: {  	p0 =	seq.s32 s5, $0x0;
	s5 =	sld [smem:$0x3FB0]  }
0x2b: {  	s6 =	sld [smem:$0x3FB1]  }
0x2c: {  	s7 =	sld [smem:$0x3FB2]  }
0x2d: {  	s3 =	simm.s32 $0x108;
	s8 =	sld [smem:$0x3FB3]  }
0x2e: {  	s3 =	simm.s32 @!p0 $0x1082;
	s9 =	sld [smem:$0x3FB4]  }
0x2f: {  	lr =	sadd.s32 s0, s3;
	s0 =	sld [smem:$0x3FAB]  }
0x30: {  	s3 =	sld [smem:$0x3FAE]  }
0x31: {  	[smem:$0x3FB7] =	sst s10  }
0x32: {  	s10 =	sld [smem:$0x3FB5];
	_ =	sdelay $0x3  }
0x33: {  	p0 =	seq.s32 s10, $0x1;
	s10 =	sld [smem:$0x3FB7];
	_ =	sdelay $0x3  }
0x34: {  	[smem:$0x3FB7] =	sst s10  }
0x35: {  	s10 =	sld [smem:$0x3FB6];
	_ =	sdelay $0x3  }
0x36: {  	p1 =	seq.s32 s10, $0x1;
	s10 =	sld [smem:$0x3FB7];
	_ =	sdelay $0x3  }
0x37: {  	[smem:$0x3FB7] =	sst s10  }
0x38: {  	s10 =	sld [smem:$0x3FB8]  }
0x39: {  	_ = 	snop;
	(pc) =	sbr.ind lr, $3  }
0x3a: {  	_ = 	snop  }
0x3b: {  	_ = 	snop  }
0x3c: {  	p2 =	seq.s32 s10, $0x1;
	s10 =	sld [smem:$0x3FB7]  }
0x3d: {  	_ =	shalt  }
0x3e: {  	_ =	shalt  }
0x3f: {  	_ =	shalt  }
0x40: {  	_ =	shalt  }
0x41: {  	_ =	shalt  }
0x42: {  	_ =	shalt  }
0x43: {  	_ =	shalt  }
0x44: {  	_ =	shalt  }
0x45: {  	_ =	shalt  }
0x46: {  	_ =	shalt  }
0x47: {  	_ =	shalt  }
0x48: {  	_ =	shalt  }
0x49: {  	_ =	shalt  }
0x4a: {  	_ =	shalt  }
0x4b: {  	_ =	shalt  }
0x4c: {  	_ =	shalt  }
0x4d: {  	_ =	shalt  }
0x4e: {  	_ =	shalt  }
0x4f: {  	_ =	shalt  }
0x50: {  	_ =	shalt  }
0x51: {  	_ =	shalt  }
0x52: {  	_ =	shalt  }
0x53: {  	_ =	shalt  }
0x54: {  	_ =	shalt  }
0x55: {  	_ =	shalt  }
0x56: {  	_ =	shalt  }
0x57: {  	_ =	shalt  }
0x58: {  	_ =	shalt  }
0x59: {  	_ =	shalt  }
0x5a: {  	_ =	shalt  }
0x5b: {  	_ =	shalt  }
0x5c: {  	_ =	shalt  }
0x5d: {  	_ =	shalt  }
0x5e: {  	_ =	shalt  }
0x5f: {  	_ =	shalt  }
0x60: {  	_ =	shalt  }
0x61: {  	_ =	shalt  }
0x62: {  	_ =	shalt  }
0x63: {  	_ =	shalt  }
0x64: {  	_ =	shalt  }
0x65: {  	_ =	shalt  }
0x66: {  	_ =	shalt  }
0x67: {  	_ =	shalt  }
0x68: {  	_ =	shalt  }
0x69: {  	_ =	shalt  }
0x6a: {  	_ =	shalt  }
0x6b: {  	_ =	shalt  }
0x6c: {  	_ =	shalt  }
0x6d: {  	_ =	shalt  }
0x6e: {  	_ =	shalt  }
0x6f: {  	_ =	shalt  }
0x70: {  	_ =	shalt  }
0x71: {  	_ =	shalt  }
0x72: {  	_ =	shalt  }
0x73: {  	_ =	shalt  }
0x74: {  	_ =	shalt  }
0x75: {  	_ =	shalt  }
0x76: {  	_ =	shalt  }
0x77: {  	_ =	shalt  }
0x78: {  	_ =	shalt  }
0x79: {  	_ =	shalt  }
0x7a: {  	_ =	shalt  }
0x7b: {  	_ =	shalt  }
0x7c: {  	_ =	shalt  }
0x7d: {  	_ =	shalt  }
0x7e: {  	_ =	shalt  }
0x7f: {  	_ =	shalt  }
0x80: {  	_ =	shalt  }
0x81: {  	_ =	shalt  }
0x82: {  	_ =	shalt  }
0x83: {  	_ =	shalt  }
0x84: {  	_ =	shalt  }
0x85: {  	_ =	shalt  }
0x86: {  	_ =	shalt  }
0x87: {  	_ =	shalt  }
.Lfunc_end0:
.L_simem_size_0:
called_computation_lowered:
.L_overlay_start_0:
0x88: {  	s2 =	sld [smem:$0x3FD9]  }
0x89: {  	s3 =	sld [smem:$0x3FFE];
	_ =	sdelay $0x1  }
0x8a: {  	s1 =	srdreg.scid  }
0x8b: {  	s0 =	sand.u32 $0x1, s1  }
0x8c: {  	s17 =	sshll.u32 s0, $0xA;
	s2 =	sadd.s32 s3, s2  }
0x8d: {  	s2 =	sadd.s32 s2, s17  }
0x8e: {  	[smem:$0x3FC3] =	sst s2  }
0x8f: {  	_ = 	snop  }
0x90: {  	s2 =	sld [smem:$0x3FD0];
	(tm) =	ssettm $0x1  }
0x91: {  	s18 =	sld [smem:$0x3FFB];
	_ =	sdelay $0x3  }
0x92: {  	_ =	strace s18  }
0x93: {  	s3 =	sld [smem:$0x3FFC];
	_ =	sdelay $0x3  }
0x94: {  	_ =	strace s3  }
0x95: {  	s3 =	sld [smem:$0x3FFD];
	_ =	sdelay $0x3  }
0x96: {  	_ =	strace s3  }
0x97: {  	_ =	strace $0x8FFFFFFF  }
0x98: {  	s19 =	sld [smem:$0x3FDB];
	_ =	sdelay $0x1  }
0x99: {  	s4 =	simm.s32 $_scs_section_size  }
0x9a: {  	s5 =	simm.s32 $_size__tile_overlayer_lowered;
	s6 =	simm.s32 $_tile_overlayer_lowered  }
0x9b: {  	s22 =	simm.s32 $0x1BFF;
	s21 =	sshll.u32 s6, $0x1;
	s3 =	sadd.s32 s4, s19  }
0x9c: {  	s7 =	simm.s32 $0x0;
	s20 =	sshll.u32 s5, $0x1;
	s5 =	sadd.s32 s21, s3  }
0x9d: {  	[timem:s7], [sflag:s22] =	dma.local [hbm:s5], s20  }
0x9e: {  	_ =	swait.ge [sflag:s22], s20  }
0x9f: {  	s4 =	ssub.s32 $0x0, s20;
	[sflag:s22] =	ssyncset.done $0x0  }
0xa0: {  	[sflag:s22] =	ssyncadd.s32 s4;
	_ =	sdelay $0x1  }
0xa1: {  	s23 =	simm.s32 $0x1B8B  }
0xa2: {  	_ =	swait.ge [sflag:s23], $0x1  }
0xa3: {  	[sflag:s23] =	ssyncset.done $0x0  }
0xa4: {  	s25 =	simm.s32 $0x1B8E;
	s24 =	sld [smem:$0x3FFE];
	[sflag:s23] =	ssyncadd.s32 $0xFFFFFFFF  }
0xa5: {  	s26 =	simm.s32 $execute0_lowered;
	[smem:$0x3FD2] =	sst s25  }
0xa6: {  	s5 =	sshll.u32 s26, $0x1;
	_ =	strace $0x80000046;
	[dreg:$0x1] =	wrdreg $0xFFFFFFFF  }
0xa7: {  	s28 =	simm.s32 $_size_execute0_lowered;
	s3 =	sadd.s32 s3, s5;
	[dreg:$0x0] =	wrdreg $0x0  }
0xa8: {  	s5 =	sshll.u32 s28, $0x1;
	[dreg:$0x2] =	wrdreg s3  }
0xa9: {  	[dreg:$0x3] =	wrdreg s5  }
0xaa: {  	[dreg:$0x4] =	wrdreg $0xC0  }
0xab: {  	_ =	task [dreg:s7], $0x5FFFF  }
0xac: {  	[dreg:$0x1] =	wrdreg $0xFFFFFFFF  }
0xad: {  	[dreg:$0x0] =	wrdreg $0x60  }
0xae: {  	[dreg:$0x2] =	wrdreg s24  }
0xaf: {  	[dreg:$0x3] =	wrdreg s2  }
0xb0: {  	[dreg:$0x4] =	wrdreg $0x28800  }
0xb1: {  	[dreg:$0x5] =	wrdreg $0x9  }
0xb2: {  	_ =	task.clear_ibuf [dreg:s7], $0x6FFFF;
	_ =	strace $0x90000046  }
0xb3: {  	s29 =	simm.s32 $0x9;
	_ =	strace $0x80000048  }
0xb4: {  	_ =	swait.ge [sflag:s29], $0x1  }
0xb5: {  	[sflag:s29] =	ssyncadd.s32 $0xFFFFFFFF  }
0xb6: {  	_ =	strace $0x90000048  }
0xb7: {  	_ =	sfence  }
0xb8: {  	s30 =	sld [smem:$0x0];
	_ =	sdelay $0x2  }
0xb9: {  	s31 =	sshll.u32 s1, $0xD;
	s1 =	sshrl.u32 s1, $0x2  }
0xba: {  	s3 =	sand.u32 $0x4000, s31;
	s1 =	sadd.s32 s1, s30  }
0xbb: {  	s0 =	sor.u32 s3, s0;
	s1 =	sshll.u32 s1, $0x11  }
0xbc: {  	s0 =	sor.u32 s1, s0  }
0xbd: {  	s0 =	sadd.s32 $0x8F2B, s0  }
0xbe: {  	[sflag:s0] =	ssyncadd.remote.s32 $0x1  }
0xbf: {  	_ =	sfence.sel $0xFFFF  }
0xc0: {  	[dreg:$0x0] =	wrdreg $0xFFFFFFFF;
	(pc) =	sbr.abs _section_cstart, $3  }
0xc1: {  	[dreg:$0x1] =	wrdreg $0xFFFFFFFF  }
0xc2: {  	_ =	task.clear_ibuf [dreg:s7], $0x2FFFF;
	_ =	strace $0x9FFFFFFF  }
0xc3: {  	(tm) =	ssettm $0x7FFFFFFF  }
tec
execute0_lowered:
.L_overlay_start_1:
0x0: {  	(tag) =	ssettag $0x1  }
0x1: {  	s5 =	rddreg [dreg:$0x0]  }
0x2: {  	s0 =	srdreg.scid;
	s6 =	rddreg [dreg:$0x1]  }
0x3: {  	s1 =	rddreg [dreg:$0x2];
	s8 =	stileid.u32  }
0x4: {  	s2 =	simm.s32 $0x0;
	s3 =	sand.u32 $0x1, s0;
	s0 =	rddreg [dreg:$0x3]  }
0x5: {  	s12 =	simm.s32 $0x0;
	[smem:$0x7FF] =	sst s2;
	s7 =	sshll.u32 s3, $0x4  }
0x6: {  	p0 =	sne.s32 s8, $0x0;
	_ =	strace $0x80000047;
	s4 =	sor.u32 s8, s7  }
0x7: {  	s9 =	ssub.s32 $0x2, s3;
	s3 =	sadd.s32 $0x16600, s5;
	s4 =	smul.u32 $0x2800, s4  }
0x8: {  	s10 =	sshrl.u32 s9, $0x1;
	s6 =	sadd.s32 s6, s7;
	s8 =	simm.s32 $0x1  }
0x9: {  	s9 =	ssub.s32 s9, s10;
	s10 =	sshrl.u32 @!p0 s1, $0x3;
	s11 =	sshrl.u32 s4, $0x3  }
0xa: {  	s7 =	smax.u32 s9, $0x1;
	s4 =	sadd.s32 $0x16000, s5;
	s5 =	sadd.s32 s5, s11  }
0xb: {  	s9 =	simm.s32 $0x2800;
	s11 =	simm.s32 $0x7D;
	s5 =	sadd.s32 $0xC000, s5  }
.LBB2_1:
0xc: {  	[tilespmem:s2], [sflag:$0x1] =	stream.linear.gather [hbm4b:s5+s2], $0x2800, $0x38;
	[tilespmem:$0x2AF8] =	vst v63  }
0xd: {  	_ =	swait.ge [sflag:s8], $0x2800  }
0xe: {  	[sflag:s8] =	ssyncset.done $0x0  }
0xf: {  	[sflag:s8] =	ssyncadd.s32 $0xFFFFD800  }
0x10: {  	[tilespmem:s9], [sflag:$0x1] =	stream.linear.gather [hbm4b:s3+s2], $0x80, $0x38;
	[tilespmem:$0x2AF8] =	vst v63  }
0x11: {  	_ =	swait.ge [sflag:s8], $0x80  }
0x12: {  	[sflag:s8] =	ssyncset.done $0x0  }
0x13: {  	s13 =	simm.s32 @!p0 $0x1C01;
	[sflag:s8] =	ssyncadd.s32 $0xFFFFFF80  }
0x14: {  	[spmem:s10], [sflag:s13] =	dma.local @!p0 [hbm:s4], $0x4F0  }
0x15: {  	s13 =	simm.s32 @!p0 $0x1  }
0x16: {  	_ =	swait.ge @!p0 [sflag:s13], $0x4F0  }
0x17: {  	[sflag:s13] =	ssyncset.done @!p0 $0x0  }
0x18: {  	[sflag:s13] =	ssyncadd.s32 @!p0 $0xFFFFFB10  }
0x19: {  	s31 =	simm.s32 $0x0;
	[bflag:$0x0] =	sbarrier.arrive $0xFFFF  }
0x1a: {  	[spmem:s1] =	stream.indirect.scatter.add.f32 [tilespmem:s9], [sflag:$0x1], $0x1, s31, s11, $0xb8;
	[tilespmem:$0x2AF8] =	vst v63  }
0x1b: {  	_ =	swait.ge [sflag:s8], $0x7D  }
0x1c: {  	s13 =	simm.s32 $0x200;
	[sflag:s8] =	ssyncset.done $0x0  }
.LBB2_2:
0x1d: {  	s14 =	sshra.s32 s13, $0x2;
	[sflag:s8] =	ssyncadd.s32 $0xFFFFFF83;
	p1 =	sne.s32 s13, $0x9E00  }
0x1e: {  	[spmem:s1] =	stream.indirect.scatter.add.f32 [tilespmem:s9], [sflag:$0x1], $0x1, s14, s11, $0xb8;
	[tilespmem:$0x2AF8] =	vst v63  }
.Ltmp0:
0x1f: {  	_ = 	snop;
	(pc) =	sbr.rel @p1 .LBB2_2-.Ltmp0, $4  }
0x20: {  	_ = 	snop  }
0x21: {  	s13 =	sadd.s32 $0x200, s13  }
0x22: {  	_ =	swait.ge [sflag:s8], $0x7D  }
0x23: {  	[sflag:s8] =	ssyncset.done $0x0  }
0x24: {  	[sflag:s8] =	ssyncadd.s32 $0xFFFFFF83;
	s13 =	simm.s32 @!p0 $0x1;
	s12 =	sadd.s32 $0x1, s12  }
0x25: {  	s14 =	simm.s32 @!p0 $0x20;
	s15 =	simm.s32 @!p0 $0x10;
	p1 =	sne.s32 s12, s7  }
.Ltmp1:
0x26: {  	s16 =	simm.s32 @!p0 $0x1C01;
	[bflag:$0x0] =	sbarrier.arrive $0xFFFF;
	(pc) =	sbr.rel @p1 .LBB2_1-.Ltmp1, $4  }
0x27: {  	[hbm:s6@s14], [sflag:s16] =	dma.strided @!p0 [spmem:s10@s15], $0x4F0, s13, $0x10   }
0x28: {  	_ =	swait.ge @!p0 [sflag:s13], $0x4F0  }
0x29: {  	[sflag:s13] =	ssyncset.done @!p0 $0x0  }
0x2a: {  	[sflag:s13] =	ssyncadd.s32 @!p0 $0xFFFFFB10  }
0x2b: {  	_ =	sfence.sel $0x180000  }
0x2c: {  	[bflag:$0x0] =	sbarrier.arrive $0xFFFF  }
0x2d: {  	_ =	strace $0x90000047  }
0x2e: {  	s0 =	sadd.s32 @!p0 $0x100000, s0;
	[bflag:$0x2] =	sbarrier.arrive $0xFFFF  }
0x2f: {  	[sflag:s0] =	ssyncadd.tile.s32 @!p0 $0x1;
	_ =	shalt  }
.Lfunc_end2:
_tile_overlayer_lowered:
.L_overlay_start_2:
0x30: {  	(tag) =	ssettag $0x2  }
0x31: {  	s0 =	rddreg [dreg:$0x0];
	s2 =	stileid.u32  }
0x32: {  	s1 =	rddreg [dreg:$0x1];
	p0 =	sne.s32 s2, $0x0  }
0x33: {  	s3 =	rddreg [dreg:$0x2];
	[bflag:$0x3] =	sbarrier.arrive $0xFFFF;
	s2 =	simm.s32 @!p0 $0x1C01  }
0x34: {  	[timem:s3], [sflag:s2] =	dma.local @!p0 [hbm:s0], s1  }
0x35: {  	s0 =	simm.s32 @!p0 $0x1  }
0x36: {  	_ =	swait.ge @!p0 [sflag:s0], s1  }
0x37: {  	s1 =	ssub.s32 @!p0 $0x0, s1;
	[sflag:s0] =	ssyncset.done @!p0 $0x0  }
0x38: {  	[sflag:s0] =	ssyncadd.s32 @!p0 s1  }
0x39: {  	[bflag:$0x3] =	sbarrier.arrive $0xFFFF  }
0x3a: {  	_ =	shalt  }

// kernel: sc_edge_aggregate.3.cloned.1.call-start
scs
__scs_entry_jumppad:
0x0: {  	(pc) =	sbr.rel $0x88, $3  }
0x1: {  	(tag) =	ssettag $0x0;
	lr =	simm.s32 $0x1  }
0x2: {  	[smem:$0x3F9C] =	sst lr;
	_ =	strace $0xD0000000  }
0x3: {  	_ = 	snop  }
0x4: {  	_ = 	snop  }
0x5: {  	_ = 	snop  }
0x6: {  	_ = 	snop  }
0x7: {  	_ = 	snop  }
__scs_overlays_trampoline_lowered:
0x8: {  	[smem:$0x3FAB] =	sst s0  }
0x9: {  	[smem:$0x3FAC] =	sst s1  }
0xa: {  	[smem:$0x3FAD] =	sst s2  }
0xb: {  	[smem:$0x3FAE] =	sst s3  }
0xc: {  	[smem:$0x3FAF] =	sst s4  }
0xd: {  	[smem:$0x3FB0] =	sst s5  }
0xe: {  	[smem:$0x3FB1] =	sst s6  }
0xf: {  	[smem:$0x3FB2] =	sst s7  }
0x10: {  	[smem:$0x3FB3] =	sst s8  }
0x11: {  	[smem:$0x3FB4] =	sst s9;
	s0 =	simm.s32 @!p0 $0x0  }
0x12: {  	s1 =	sld [smem:$0x3F9A];
	s0 =	simm.s32 @p0 $0x1  }
0x13: {  	[smem:$0x3FB5] =	sst s0;
	s0 =	simm.s32 @!p1 $0x0  }
0x14: {  	s2 =	sld [smem:$0x3F99];
	s0 =	simm.s32 @p1 $0x1  }
0x15: {  	[smem:$0x3FB6] =	sst s0;
	s0 =	simm.s32 @!p2 $0x0  }
0x16: {  	s3 =	sld [smem:$0x3FDB];
	s0 =	simm.s32 @p2 $0x1  }
0x17: {  	s4 =	simm.s32 $0x1BF5;
	[smem:$0x3FB8] =	sst s0  }
0x18: {  	s0 =	sld [smem:$0x3F9B];
	_ =	swait.ge [sflag:s4], $0x0  }
0x19: {  	s7 =	sld [smem:$0x3F9C]  }
0x1a: {  	s8 =	sadd.s32 $0xFFFFE003, lr  }
0x1b: {  	s9 =	sadd.s32 $0xFFFFFEF7, lr;
	s5 =	simm.s32 $0xFFFFFFFF;
	p2 =	slt.u32 s8, $0xFFFFF086  }
0x1c: {  	p1 =	slt.u32 s9, $0xF7A;
	s5 =	simm.s32 @!p2 $0x0  }
0x1d: {  	s5 =	simm.s32 @p1 $0x1;
	p0 =	seq.s32 s7, s2  }
0x1e: {  	s7 =	smul.u32 @!p0 $0xF7A, s2;
	p2 =	seq.s32 @!p0 s5, $0x0  }
0x1f: {  	s9 =	smul.u32 $0xF7A, s1;
	s8 =	simm.s32 @!p0 $0x1BF5;
	p2 =	por !p2, p0  }
0x20: {  	[sflag:s8] =	ssyncset.s32 @!p0 $0xFFFFF086;
	s6 =	sadd.s32 @!p0 s3, s7;
	s7 =	simm.s32 @!p0 $0x108  }
0x21: {  	s3 =	sadd.s32 s3, s9;
	s6 =	sadd.s32 @!p0 $0x88, s6;
	s7 =	simm.s32 @p2 $0x1082  }
0x22: {  	[simem:s7], [sflag:s8] =	dma.local @!p0 [hbm:s6], $0xF7A  }
0x23: {  	s9 =	sor.u32 $0xD0000000, s2;
	s6 =	simm.s32 $0x108;
	_ =	swait.ge @!p0 [sflag:s8], $0x0  }
0x24: {  	s3 =	sadd.s32 $0x88, s3;
	s6 =	simm.s32 @!p1 $0x1082;
	[sflag:s4] =	ssyncset.s32 $0xFFFFF086  }
0x25: {  	[simem:s6], [sflag:s4] =	dma.local [hbm:s3], $0xF7A  }
0x26: {  	[smem:$0x3F9C] =	sst s1;
	(tag) =	ssettag s2;
	_ =	strace s9  }
0x27: {  	s1 =	sld [smem:$0x3FAC]  }
0x28: {  	s2 =	sld [smem:$0x3FAD]  }
0x29: {  	s4 =	sld [smem:$0x3FAF]  }
0x2a: {  	p0 =	seq.s32 s5, $0x0;
	s5 =	sld [smem:$0x3FB0]  }
0x2b: {  	s6 =	sld [smem:$0x3FB1]  }
0x2c: {  	s7 =	sld [smem:$0x3FB2]  }
0x2d: {  	s3 =	simm.s32 $0x108;
	s8 =	sld [smem:$0x3FB3]  }
0x2e: {  	s3 =	simm.s32 @!p0 $0x1082;
	s9 =	sld [smem:$0x3FB4]  }
0x2f: {  	lr =	sadd.s32 s0, s3;
	s0 =	sld [smem:$0x3FAB]  }
0x30: {  	s3 =	sld [smem:$0x3FAE]  }
0x31: {  	[smem:$0x3FB7] =	sst s10  }
0x32: {  	s10 =	sld [smem:$0x3FB5];
	_ =	sdelay $0x3  }
0x33: {  	p0 =	seq.s32 s10, $0x1;
	s10 =	sld [smem:$0x3FB7];
	_ =	sdelay $0x3  }
0x34: {  	[smem:$0x3FB7] =	sst s10  }
0x35: {  	s10 =	sld [smem:$0x3FB6];
	_ =	sdelay $0x3  }
0x36: {  	p1 =	seq.s32 s10, $0x1;
	s10 =	sld [smem:$0x3FB7];
	_ =	sdelay $0x3  }
0x37: {  	[smem:$0x3FB7] =	sst s10  }
0x38: {  	s10 =	sld [smem:$0x3FB8]  }
0x39: {  	_ = 	snop;
	(pc) =	sbr.ind lr, $3  }
0x3a: {  	_ = 	snop  }
0x3b: {  	_ = 	snop  }
0x3c: {  	p2 =	seq.s32 s10, $0x1;
	s10 =	sld [smem:$0x3FB7]  }
0x3d: {  	_ =	shalt  }
0x3e: {  	_ =	shalt  }
0x3f: {  	_ =	shalt  }
0x40: {  	_ =	shalt  }
0x41: {  	_ =	shalt  }
0x42: {  	_ =	shalt  }
0x43: {  	_ =	shalt  }
0x44: {  	_ =	shalt  }
0x45: {  	_ =	shalt  }
0x46: {  	_ =	shalt  }
0x47: {  	_ =	shalt  }
0x48: {  	_ =	shalt  }
0x49: {  	_ =	shalt  }
0x4a: {  	_ =	shalt  }
0x4b: {  	_ =	shalt  }
0x4c: {  	_ =	shalt  }
0x4d: {  	_ =	shalt  }
0x4e: {  	_ =	shalt  }
0x4f: {  	_ =	shalt  }
0x50: {  	_ =	shalt  }
0x51: {  	_ =	shalt  }
0x52: {  	_ =	shalt  }
0x53: {  	_ =	shalt  }
0x54: {  	_ =	shalt  }
0x55: {  	_ =	shalt  }
0x56: {  	_ =	shalt  }
0x57: {  	_ =	shalt  }
0x58: {  	_ =	shalt  }
0x59: {  	_ =	shalt  }
0x5a: {  	_ =	shalt  }
0x5b: {  	_ =	shalt  }
0x5c: {  	_ =	shalt  }
0x5d: {  	_ =	shalt  }
0x5e: {  	_ =	shalt  }
0x5f: {  	_ =	shalt  }
0x60: {  	_ =	shalt  }
0x61: {  	_ =	shalt  }
0x62: {  	_ =	shalt  }
0x63: {  	_ =	shalt  }
0x64: {  	_ =	shalt  }
0x65: {  	_ =	shalt  }
0x66: {  	_ =	shalt  }
0x67: {  	_ =	shalt  }
0x68: {  	_ =	shalt  }
0x69: {  	_ =	shalt  }
0x6a: {  	_ =	shalt  }
0x6b: {  	_ =	shalt  }
0x6c: {  	_ =	shalt  }
0x6d: {  	_ =	shalt  }
0x6e: {  	_ =	shalt  }
0x6f: {  	_ =	shalt  }
0x70: {  	_ =	shalt  }
0x71: {  	_ =	shalt  }
0x72: {  	_ =	shalt  }
0x73: {  	_ =	shalt  }
0x74: {  	_ =	shalt  }
0x75: {  	_ =	shalt  }
0x76: {  	_ =	shalt  }
0x77: {  	_ =	shalt  }
0x78: {  	_ =	shalt  }
0x79: {  	_ =	shalt  }
0x7a: {  	_ =	shalt  }
0x7b: {  	_ =	shalt  }
0x7c: {  	_ =	shalt  }
0x7d: {  	_ =	shalt  }
0x7e: {  	_ =	shalt  }
0x7f: {  	_ =	shalt  }
0x80: {  	_ =	shalt  }
0x81: {  	_ =	shalt  }
0x82: {  	_ =	shalt  }
0x83: {  	_ =	shalt  }
0x84: {  	_ =	shalt  }
0x85: {  	_ =	shalt  }
0x86: {  	_ =	shalt  }
0x87: {  	_ =	shalt  }
.Lfunc_end0:
.L_simem_size_0:
called_computation.1_lowered:
.L_overlay_start_0:
0x88: {  	s2 =	sld [smem:$0x3FD9]  }
0x89: {  	s3 =	sld [smem:$0x3FFE];
	_ =	sdelay $0x1  }
0x8a: {  	s1 =	srdreg.scid  }
0x8b: {  	s0 =	sand.u32 $0x1, s1  }
0x8c: {  	s17 =	sshll.u32 s0, $0xA;
	s2 =	sadd.s32 s3, s2  }
0x8d: {  	s2 =	sadd.s32 s2, s17  }
0x8e: {  	[smem:$0x3FC3] =	sst s2  }
0x8f: {  	_ = 	snop  }
0x90: {  	s2 =	sld [smem:$0x3FD0];
	(tm) =	ssettm $0x1  }
0x91: {  	s18 =	sld [smem:$0x3FFB];
	_ =	sdelay $0x3  }
0x92: {  	_ =	strace s18  }
0x93: {  	s3 =	sld [smem:$0x3FFC];
	_ =	sdelay $0x3  }
0x94: {  	_ =	strace s3  }
0x95: {  	s3 =	sld [smem:$0x3FFD];
	_ =	sdelay $0x3  }
0x96: {  	_ =	strace s3  }
0x97: {  	_ =	strace $0x8FFFFFFF  }
0x98: {  	s19 =	sld [smem:$0x3FDB];
	_ =	sdelay $0x1  }
0x99: {  	s4 =	simm.s32 $_scs_section_size  }
0x9a: {  	s5 =	simm.s32 $_size__tile_overlayer_lowered;
	s6 =	simm.s32 $_tile_overlayer_lowered  }
0x9b: {  	s22 =	simm.s32 $0x1BFF;
	s21 =	sshll.u32 s6, $0x1;
	s3 =	sadd.s32 s4, s19  }
0x9c: {  	s7 =	simm.s32 $0x0;
	s20 =	sshll.u32 s5, $0x1;
	s5 =	sadd.s32 s21, s3  }
0x9d: {  	[timem:s7], [sflag:s22] =	dma.local [hbm:s5], s20  }
0x9e: {  	_ =	swait.ge [sflag:s22], s20  }
0x9f: {  	s4 =	ssub.s32 $0x0, s20;
	[sflag:s22] =	ssyncset.done $0x0  }
0xa0: {  	[sflag:s22] =	ssyncadd.s32 s4;
	_ =	sdelay $0x1  }
0xa1: {  	s23 =	simm.s32 $0x1B8B  }
0xa2: {  	_ =	swait.ge [sflag:s23], $0x1  }
0xa3: {  	[sflag:s23] =	ssyncset.done $0x0  }
0xa4: {  	s25 =	simm.s32 $0x1B8E;
	s24 =	sld [smem:$0x3FFE];
	[sflag:s23] =	ssyncadd.s32 $0xFFFFFFFF  }
0xa5: {  	s26 =	simm.s32 $execute0_lowered;
	[smem:$0x3FD2] =	sst s25  }
0xa6: {  	s5 =	sshll.u32 s26, $0x1;
	_ =	strace $0x80000049;
	[dreg:$0x1] =	wrdreg $0xFFFFFFFF  }
0xa7: {  	s28 =	simm.s32 $_size_execute0_lowered;
	s3 =	sadd.s32 s3, s5;
	[dreg:$0x0] =	wrdreg $0x0  }
0xa8: {  	s5 =	sshll.u32 s28, $0x1;
	[dreg:$0x2] =	wrdreg s3  }
0xa9: {  	[dreg:$0x3] =	wrdreg s5  }
0xaa: {  	[dreg:$0x4] =	wrdreg $0xC0  }
0xab: {  	_ =	task [dreg:s7], $0x5FFFF  }
0xac: {  	[dreg:$0x1] =	wrdreg $0xFFFFFFFF  }
0xad: {  	[dreg:$0x0] =	wrdreg $0x60  }
0xae: {  	[dreg:$0x2] =	wrdreg s2  }
0xaf: {  	[dreg:$0x3] =	wrdreg s24  }
0xb0: {  	[dreg:$0x4] =	wrdreg $0x90000  }
0xb1: {  	[dreg:$0x5] =	wrdreg $0x9  }
0xb2: {  	_ =	task.clear_ibuf [dreg:s7], $0x6FFFF;
	_ =	strace $0x90000049  }
0xb3: {  	s29 =	simm.s32 $0x9;
	_ =	strace $0x8000004B  }
0xb4: {  	_ =	swait.ge [sflag:s29], $0x1  }
0xb5: {  	[sflag:s29] =	ssyncadd.s32 $0xFFFFFFFF  }
0xb6: {  	_ =	strace $0x9000004B  }
0xb7: {  	_ =	sfence  }
0xb8: {  	s30 =	sld [smem:$0x0];
	_ =	sdelay $0x2  }
0xb9: {  	s31 =	sshll.u32 s1, $0xD;
	s1 =	sshrl.u32 s1, $0x2  }
0xba: {  	s3 =	sand.u32 $0x4000, s31;
	s1 =	sadd.s32 s1, s30  }
0xbb: {  	s0 =	sor.u32 s3, s0;
	s1 =	sshll.u32 s1, $0x11  }
0xbc: {  	s0 =	sor.u32 s1, s0  }
0xbd: {  	s0 =	sadd.s32 $0x8F2B, s0  }
0xbe: {  	[sflag:s0] =	ssyncadd.remote.s32 $0x1  }
0xbf: {  	_ =	sfence.sel $0xFFFF  }
0xc0: {  	[dreg:$0x0] =	wrdreg $0xFFFFFFFF;
	(pc) =	sbr.abs _section_cstart, $3  }
0xc1: {  	[dreg:$0x1] =	wrdreg $0xFFFFFFFF  }
0xc2: {  	_ =	task.clear_ibuf [dreg:s7], $0x2FFFF;
	_ =	strace $0x9FFFFFFF  }
0xc3: {  	(tm) =	ssettm $0x7FFFFFFF  }
tec
execute0_lowered:
.L_overlay_start_1:
0x0: {  	(tag) =	ssettag $0x1  }
0x1: {  	s1 =	rddreg [dreg:$0x0]  }
0x2: {  	s0 =	rddreg [dreg:$0x1]  }
0x3: {  	s2 =	rddreg [dreg:$0x2]  }
0x4: {  	s3 =	simm.s32 $0x0;
	s4 =	srdreg.scid;
	s5 =	stileid.u32  }
0x5: {  	s26 =	simm.s32 $0x80;
	s14 =	simm.s32 $0x180;
	s15 =	simm.s32 $0x900  }
0x6: {  	s17 =	simm.s32 $0x200;
	s18 =	simm.s32 $0x980;
	s19 =	simm.s32 $0x280  }
0x7: {  	s20 =	simm.s32 $0xA00;
	s28 =	simm.s32 $0xD80;
	s29 =	simm.s32 $0x680  }
0x8: {  	s30 =	simm.s32 $0xE00;
	[smem:$0x7FF] =	sst s3;
	s8 =	sadd.s32 $0x16000, s0  }
0x9: {  	s31 =	simm.s32 $0x700;
	_ =	strace $0x8000004A;
	[dreg:$0x15] =	wrdreg s8  }
0xa: {  	s6 =	sadd.s32 $0x2000, s0;
	s4 =	sand.u32 $0x1, s4;
	[dreg:$0x6] =	wrdreg s26  }
0xb: {  	s7 =	smul.u32 $0x4E000, s5;
	s0 =	sadd.s32 $0x18800, s0;
	[dreg:$0x9] =	wrdreg s14  }
0xc: {  	s22 =	smul.u32 $0x2800, s5;
	s11 =	sshll.u32 s5, $0x6;
	[dreg:$0xa] =	wrdreg s15  }
0xd: {  	s12 =	smul.u32 $0x13800, s5;
	p0 =	sne.s32 s5, $0x0;
	[dreg:$0xb] =	wrdreg s17  }
0xe: {  	s21 =	ssub.s32 $0x2, s4;
	s9 =	smul.u32 $0x138800, s4;
	[dreg:$0xc] =	wrdreg s18  }
0xf: {  	s4 =	smul.u32 $0x28000, s4;
	s13 =	sor.u32 $0x1C05, s11;
	[dreg:$0xd] =	wrdreg s19  }
0x10: {  	s11 =	sadd.s32 $0x138000, s2;
	[dreg:$0xe] =	wrdreg s20;
	s14 =	simm.s32 $0x1000  }
0x11: {  	s15 =	simm.s32 $0x5000;
	s17 =	simm.s32 $0x3;
	s18 =	simm.s32 $0x2  }
0x12: {  	s26 =	simm.s32 $0xB80;
	s19 =	simm.s32 $0x4;
	s20 =	simm.s32 $0x480  }
0x13: {  	s10 =	sshrl.u32 s21, $0x1;
	s7 =	sshrl.u32 s7, $0x2;
	s5 =	smov.u32 s13  }
0x14: {  	s13 =	simm.s32 $0x7D;
	[dreg:$0x14] =	wrdreg s26;
	s26 =	simm.s32 $0x600  }
0x15: {  	s8 =	ssub.s32 s21, s10;
	s7 =	sadd.s32 s7, s2;
	s4 =	sadd.s32 s22, s4  }
0x16: {  	s23 =	sadd.s32 s12, s9;
	s25 =	sshrl.u32 s9, $0x3;
	s9 =	simm.s32 $0x100  }
0x17: {  	s21 =	simm.s32 $0x300;
	s22 =	simm.s32 $0xA80;
	[dreg:$0x16] =	wrdreg s5  }
0x18: {  	s24 =	sshrl.u32 s4, $0x3;
	s4 =	sadd.s32 $0x50000, s4;
	[dreg:$0x7] =	wrdreg s9  }
0x19: {  	s10 =	sshrl.u32 s23, $0x3;
	s16 =	sshrl.u32 s7, $0x3;
	[dreg:$0xf] =	wrdreg s21  }
0x1a: {  	s9 =	sshrl.u32 @!p0 s11, $0x3;
	[dreg:$0x10] =	wrdreg s22;
	s23 =	simm.s32 $0x380  }
0x1b: {  	s21 =	simm.s32 $0xC00;
	s22 =	simm.s32 $0x500;
	[dreg:$0x11] =	wrdreg s23  }
0x1c: {  	s7 =	simm.s32 $0xF00;
	s10 =	sadd.s32 s0, s10;
	[dreg:$0x1b] =	wrdreg s9  }
0x1d: {  	s12 =	sadd.s32 s24, s6;
	s4 =	sshrl.u32 s4, $0x3;
	[dreg:$0x17] =	wrdreg s10  }
0x1e: {  	s0 =	sadd.s32 s0, s25;
	s24 =	simm.s32 $0xB00;
	[dreg:$0x4] =	wrdreg s12  }
0x1f: {  	s11 =	smov.u32 s16;
	s25 =	simm.s32 $0x400;
	[dreg:$0x12] =	wrdreg s24  }
0x20: {  	s16 =	simm.s32 $0x1;
	s23 =	simm.s32 $0xC80;
	[dreg:$0x13] =	wrdreg s25  }
0x21: {  	s4 =	sadd.s32 s4, s6;
	s0 =	sadd.s32 $0x27000, s0;
	[dreg:$0x1a] =	wrdreg s11  }
0x22: {  	s10 =	simm.s32 $0x880;
	s12 =	smax.u32 s8, $0x1;
	[dreg:$0x5] =	wrdreg s4  }
0x23: {  	s24 =	simm.s32 $0x580;
	s25 =	simm.s32 $0xD00;
	[dreg:$0x18] =	wrdreg s0  }
0x24: {  	s6 =	simm.s32 $0x780;
	s8 =	simm.s32 $0xF80;
	[dreg:$0x19] =	wrdreg s12  }
0x25: {  	[dreg:$0x8] =	wrdreg s10;
	s10 =	simm.s32 $0x5;
	s4 =	simm.s32 $0x0  }
0x26: {  	s12 =	simm.s32 $0x800;
	s0 =	simm.s32 $0xE80;
	[dreg:$0x1c] =	wrdreg s4  }
.LBB2_1:
0x27: {  	s4 =	rddreg [dreg:$0x15]  }
0x28: {  	[spmem:s11], [sflag:s5] =	dma.local [hbm:s4], $0x2700  }
0x29: {  	_ =	swait.ge [sflag:s10], $0x2700  }
0x2a: {  	[sflag:s10] =	ssyncset.done $0x0  }
0x2b: {  	[sflag:s10] =	ssyncadd.s32 $0xFFFFD900  }
0x2c: {  	[spmem:s9], [sflag:s5] =	dma.local @!p0 [hbm:s4], $0x100  }
0x2d: {  	s5 =	simm.s32 @!p0 $0x5  }
0x2e: {  	_ =	swait.ge @!p0 [sflag:s5], $0x100  }
0x2f: {  	[sflag:s5] =	ssyncset.done @!p0 $0x0  }
0x30: {  	[sflag:s5] =	ssyncadd.s32 @!p0 $0xFFFFFF00  }
0x31: {  	[bflag:$0x0] =	sbarrier.arrive $0xFFFF  }
0x32: {  	s9 =	rddreg [dreg:$0x4]  }
0x33: {  	s5 =	sadd.s32 $0x0, s9  }
0x34: {  	[tilespmem:s3], [sflag:$0x5] =	stream.linear.gather [hbm4b:s5+s3], $0x800, $0x38;
	[tilespmem:$0x1C880] =	vst v63  }
0x35: {  	_ =	swait.ge [sflag:s10], $0x800  }
0x36: {  	s11 =	rddreg [dreg:$0x5];
	[sflag:s10] =	ssyncset.done $0x0  }
0x37: {  	[sflag:s10] =	ssyncadd.s32 $0xFFFFF800;
	s5 =	sadd.s32 $0x0, s11  }
0x38: {  	[tilespmem:s12], [sflag:$0x5] =	stream.linear.gather [hbm4b:s5+s3], $0x800, $0x38;
	[tilespmem:$0x1C880] =	vst v63  }
0x39: {  	_ =	swait.ge [sflag:s10], $0x800  }
0x3a: {  	[sflag:s10] =	ssyncset.done $0x0  }
0x3b: {  	[sflag:s10] =	ssyncadd.s32 $0xFFFFF800  }
0x3c: {  	[tilespmem:s14], [sflag:$0x1] =	stream.indirect.gather [hbm4b:s1+s13], $0x80, s3, s13, $0xb8;
	[tilespmem:$0x1C880] =	vst v63  }
0x3d: {  	s4 =	rddreg [dreg:$0x6]  }
0x3e: {  	[tilespmem:s15], [sflag:$0x2] =	stream.indirect.gather [hbm4b:s1+s13], $0x80, s4, s13, $0xb8;
	[tilespmem:$0x1C880] =	vst v63  }
0x3f: {  	_ =	swait.ge [sflag:s16], $0x3E80  }
0x40: {  	[sflag:s16] =	ssyncset.done $0x0  }
0x41: {  	[sflag:s16] =	ssyncadd.s32 $0xFFFFC180  }
0x42: {  	[spmem:s2] =	stream.indirect.scatter.add.f32 [tilespmem:s14], [sflag:$0x3], $0x80, s12, s13, $0xb8;
	[tilespmem:$0x1C880] =	vst v63  }
0x43: {  	_ =	swait.ge [sflag:s17], $0x3E80  }
0x44: {  	[sflag:s17] =	ssyncset.done $0x0  }
0x45: {  	s9 =	rddreg [dreg:$0x7];
	[sflag:s17] =	ssyncadd.s32 $0xFFFFC180  }
0x46: {  	[tilespmem:s14], [sflag:$0x1] =	stream.indirect.gather [hbm4b:s1+s13], $0x80, s9, s13, $0xb8;
	[tilespmem:$0x1C880] =	vst v63  }
0x47: {  	_ =	swait.ge [sflag:s18], $0x3E80  }
0x48: {  	[sflag:s18] =	ssyncset.done $0x0  }
0x49: {  	s11 =	rddreg [dreg:$0x8];
	[sflag:s18] =	ssyncadd.s32 $0xFFFFC180  }
0x4a: {  	[spmem:s2] =	stream.indirect.scatter.add.f32 [tilespmem:s15], [sflag:$0x4], $0x80, s11, s13, $0xb8;
	[tilespmem:$0x1C880] =	vst v63  }
0x4b: {  	_ =	swait.ge [sflag:s19], $0x3E80  }
0x4c: {  	[sflag:s19] =	ssyncset.done $0x0  }
0x4d: {  	s4 =	rddreg [dreg:$0x9];
	[sflag:s19] =	ssyncadd.s32 $0xFFFFC180  }
0x4e: {  	[tilespmem:s15], [sflag:$0x2] =	stream.indirect.gather [hbm4b:s1+s13], $0x80, s4, s13, $0xb8;
	[tilespmem:$0x1C880] =	vst v63  }
0x4f: {  	_ =	swait.ge [sflag:s16], $0x3E80  }
0x50: {  	[sflag:s16] =	ssyncset.done $0x0  }
0x51: {  	s9 =	rddreg [dreg:$0xa];
	[sflag:s16] =	ssyncadd.s32 $0xFFFFC180  }
0x52: {  	[spmem:s2] =	stream.indirect.scatter.add.f32 [tilespmem:s14], [sflag:$0x3], $0x80, s9, s13, $0xb8;
	[tilespmem:$0x1C880] =	vst v63  }
0x53: {  	_ =	swait.ge [sflag:s17], $0x3E80  }
0x54: {  	[sflag:s17] =	ssyncset.done $0x0  }
0x55: {  	s11 =	rddreg [dreg:$0xb];
	[sflag:s17] =	ssyncadd.s32 $0xFFFFC180  }
0x56: {  	[tilespmem:s14], [sflag:$0x1] =	stream.indirect.gather [hbm4b:s1+s13], $0x80, s11, s13, $0xb8;
	[tilespmem:$0x1C880] =	vst v63  }
0x57: {  	_ =	swait.ge [sflag:s18], $0x3E80  }
0x58: {  	[sflag:s18] =	ssyncset.done $0x0  }
0x59: {  	s4 =	rddreg [dreg:$0xc];
	[sflag:s18] =	ssyncadd.s32 $0xFFFFC180  }
0x5a: {  	[spmem:s2] =	stream.indirect.scatter.add.f32 [tilespmem:s15], [sflag:$0x4], $0x80, s4, s13, $0xb8;
	[tilespmem:$0x1C880] =	vst v63  }
0x5b: {  	_ =	swait.ge [sflag:s19], $0x3E80  }
0x5c: {  	[sflag:s19] =	ssyncset.done $0x0  }
0x5d: {  	s9 =	rddreg [dreg:$0xd];
	[sflag:s19] =	ssyncadd.s32 $0xFFFFC180  }
0x5e: {  	[tilespmem:s15], [sflag:$0x2] =	stream.indirect.gather [hbm4b:s1+s13], $0x80, s9, s13, $0xb8;
	[tilespmem:$0x1C880] =	vst v63  }
0x5f: {  	_ =	swait.ge [sflag:s16], $0x3E80  }
0x60: {  	[sflag:s16] =	ssyncset.done $0x0  }
0x61: {  	s11 =	rddreg [dreg:$0xe];
	[sflag:s16] =	ssyncadd.s32 $0xFFFFC180  }
0x62: {  	[spmem:s2] =	stream.indirect.scatter.add.f32 [tilespmem:s14], [sflag:$0x3], $0x80, s11, s13, $0xb8;
	[tilespmem:$0x1C880] =	vst v63  }
0x63: {  	_ =	swait.ge [sflag:s17], $0x3E80  }
0x64: {  	[sflag:s17] =	ssyncset.done $0x0  }
0x65: {  	s4 =	rddreg [dreg:$0xf];
	[sflag:s17] =	ssyncadd.s32 $0xFFFFC180  }
0x66: {  	[tilespmem:s14], [sflag:$0x1] =	stream.indirect.gather [hbm4b:s1+s13], $0x80, s4, s13, $0xb8;
	[tilespmem:$0x1C880] =	vst v63  }
0x67: {  	_ =	swait.ge [sflag:s18], $0x3E80  }
0x68: {  	[sflag:s18] =	ssyncset.done $0x0  }
0x69: {  	s9 =	rddreg [dreg:$0x10];
	[sflag:s18] =	ssyncadd.s32 $0xFFFFC180  }
0x6a: {  	[spmem:s2] =	stream.indirect.scatter.add.f32 [tilespmem:s15], [sflag:$0x4], $0x80, s9, s13, $0xb8;
	[tilespmem:$0x1C880] =	vst v63  }
0x6b: {  	_ =	swait.ge [sflag:s19], $0x3E80  }
0x6c: {  	[sflag:s19] =	ssyncset.done $0x0  }
0x6d: {  	s11 =	rddreg [dreg:$0x11];
	[sflag:s19] =	ssyncadd.s32 $0xFFFFC180  }
0x6e: {  	[tilespmem:s15], [sflag:$0x2] =	stream.indirect.gather [hbm4b:s1+s13], $0x80, s11, s13, $0xb8;
	[tilespmem:$0x1C880] =	vst v63  }
0x6f: {  	_ =	swait.ge [sflag:s16], $0x3E80  }
0x70: {  	[sflag:s16] =	ssyncset.done $0x0  }
0x71: {  	s4 =	rddreg [dreg:$0x12];
	[sflag:s16] =	ssyncadd.s32 $0xFFFFC180  }
0x72: {  	[spmem:s2] =	stream.indirect.scatter.add.f32 [tilespmem:s14], [sflag:$0x3], $0x80, s4, s13, $0xb8;
	[tilespmem:$0x1C880] =	vst v63  }
0x73: {  	_ =	swait.ge [sflag:s17], $0x3E80  }
0x74: {  	[sflag:s17] =	ssyncset.done $0x0  }
0x75: {  	s9 =	rddreg [dreg:$0x13];
	[sflag:s17] =	ssyncadd.s32 $0xFFFFC180  }
0x76: {  	[tilespmem:s14], [sflag:$0x1] =	stream.indirect.gather [hbm4b:s1+s13], $0x80, s9, s13, $0xb8;
	[tilespmem:$0x1C880] =	vst v63  }
0x77: {  	_ =	swait.ge [sflag:s18], $0x3E80  }
0x78: {  	[sflag:s18] =	ssyncset.done $0x0  }
0x79: {  	s11 =	rddreg [dreg:$0x14];
	[sflag:s18] =	ssyncadd.s32 $0xFFFFC180  }
0x7a: {  	[spmem:s2] =	stream.indirect.scatter.add.f32 [tilespmem:s15], [sflag:$0x4], $0x80, s11, s13, $0xb8;
	[tilespmem:$0x1C880] =	vst v63  }
0x7b: {  	_ =	swait.ge [sflag:s19], $0x3E80  }
0x7c: {  	[sflag:s19] =	ssyncset.done $0x0  }
0x7d: {  	[sflag:s19] =	ssyncadd.s32 $0xFFFFC180  }
0x7e: {  	[tilespmem:s15], [sflag:$0x2] =	stream.indirect.gather [hbm4b:s1+s13], $0x80, s20, s13, $0xb8;
	[tilespmem:$0x1C880] =	vst v63  }
0x7f: {  	_ =	swait.ge [sflag:s16], $0x3E80  }
0x80: {  	[sflag:s16] =	ssyncset.done $0x0  }
0x81: {  	[sflag:s16] =	ssyncadd.s32 $0xFFFFC180  }
0x82: {  	[spmem:s2] =	stream.indirect.scatter.add.f32 [tilespmem:s14], [sflag:$0x3], $0x80, s21, s13, $0xb8;
	[tilespmem:$0x1C880] =	vst v63  }
0x83: {  	_ =	swait.ge [sflag:s17], $0x3E80  }
0x84: {  	[sflag:s17] =	ssyncset.done $0x0  }
0x85: {  	[sflag:s17] =	ssyncadd.s32 $0xFFFFC180  }
0x86: {  	[tilespmem:s14], [sflag:$0x1] =	stream.indirect.gather [hbm4b:s1+s13], $0x80, s22, s13, $0xb8;
	[tilespmem:$0x1C880] =	vst v63  }
0x87: {  	_ =	swait.ge [sflag:s18], $0x3E80  }
0x88: {  	[sflag:s18] =	ssyncset.done $0x0  }
0x89: {  	[sflag:s18] =	ssyncadd.s32 $0xFFFFC180  }
0x8a: {  	[spmem:s2] =	stream.indirect.scatter.add.f32 [tilespmem:s15], [sflag:$0x4], $0x80, s23, s13, $0xb8;
	[tilespmem:$0x1C880] =	vst v63  }
0x8b: {  	_ =	swait.ge [sflag:s19], $0x3E80  }
0x8c: {  	[sflag:s19] =	ssyncset.done $0x0  }
0x8d: {  	[sflag:s19] =	ssyncadd.s32 $0xFFFFC180  }
0x8e: {  	[tilespmem:s15], [sflag:$0x2] =	stream.indirect.gather [hbm4b:s1+s13], $0x80, s24, s13, $0xb8;
	[tilespmem:$0x1C880] =	vst v63  }
0x8f: {  	_ =	swait.ge [sflag:s16], $0x3E80  }
0x90: {  	[sflag:s16] =	ssyncset.done $0x0  }
0x91: {  	[sflag:s16] =	ssyncadd.s32 $0xFFFFC180  }
0x92: {  	[spmem:s2] =	stream.indirect.scatter.add.f32 [tilespmem:s14], [sflag:$0x3], $0x80, s25, s13, $0xb8;
	[tilespmem:$0x1C880] =	vst v63  }
0x93: {  	_ =	swait.ge [sflag:s17], $0x3E80  }
0x94: {  	[sflag:s17] =	ssyncset.done $0x0  }
0x95: {  	[sflag:s17] =	ssyncadd.s32 $0xFFFFC180  }
0x96: {  	[tilespmem:s14], [sflag:$0x1] =	stream.indirect.gather [hbm4b:s1+s13], $0x80, s26, s13, $0xb8;
	[tilespmem:$0x1C880] =	vst v63  }
0x97: {  	_ =	swait.ge [sflag:s18], $0x3E80  }
0x98: {  	[sflag:s18] =	ssyncset.done $0x0  }
0x99: {  	[sflag:s18] =	ssyncadd.s32 $0xFFFFC180  }
0x9a: {  	[spmem:s2] =	stream.indirect.scatter.add.f32 [tilespmem:s15], [sflag:$0x4], $0x80, s28, s13, $0xb8;
	[tilespmem:$0x1C880] =	vst v63  }
0x9b: {  	_ =	swait.ge [sflag:s19], $0x3E80  }
0x9c: {  	[sflag:s19] =	ssyncset.done $0x0  }
0x9d: {  	[sflag:s19] =	ssyncadd.s32 $0xFFFFC180  }
0x9e: {  	[tilespmem:s15], [sflag:$0x2] =	stream.indirect.gather [hbm4b:s1+s13], $0x80, s29, s13, $0xb8;
	[tilespmem:$0x1C880] =	vst v63  }
0x9f: {  	_ =	swait.ge [sflag:s16], $0x3E80  }
0xa0: {  	[sflag:s16] =	ssyncset.done $0x0  }
0xa1: {  	[sflag:s16] =	ssyncadd.s32 $0xFFFFC180  }
0xa2: {  	[spmem:s2] =	stream.indirect.scatter.add.f32 [tilespmem:s14], [sflag:$0x3], $0x80, s30, s13, $0xb8;
	[tilespmem:$0x1C880] =	vst v63  }
0xa3: {  	_ =	swait.ge [sflag:s17], $0x3E80  }
0xa4: {  	[sflag:s17] =	ssyncset.done $0x0  }
0xa5: {  	[sflag:s17] =	ssyncadd.s32 $0xFFFFC180  }
0xa6: {  	[tilespmem:s14], [sflag:$0x1] =	stream.indirect.gather [hbm4b:s1+s13], $0x80, s31, s13, $0xb8;
	[tilespmem:$0x1C880] =	vst v63  }
0xa7: {  	_ =	swait.ge [sflag:s18], $0x3E80  }
0xa8: {  	[sflag:s18] =	ssyncset.done $0x0  }
0xa9: {  	[sflag:s18] =	ssyncadd.s32 $0xFFFFC180  }
0xaa: {  	[spmem:s2] =	stream.indirect.scatter.add.f32 [tilespmem:s15], [sflag:$0x4], $0x80, s0, s13, $0xb8;
	[tilespmem:$0x1C880] =	vst v63  }
0xab: {  	_ =	swait.ge [sflag:s19], $0x3E80  }
0xac: {  	[sflag:s19] =	ssyncset.done $0x0  }
0xad: {  	[sflag:s19] =	ssyncadd.s32 $0xFFFFC180  }
0xae: {  	[tilespmem:s15], [sflag:$0x2] =	stream.indirect.gather [hbm4b:s1+s13], $0x80, s6, s13, $0xb8;
	[tilespmem:$0x1C880] =	vst v63  }
0xaf: {  	_ =	swait.ge [sflag:s16], $0x3E80  }
0xb0: {  	[sflag:s16] =	ssyncset.done $0x0  }
0xb1: {  	[sflag:s16] =	ssyncadd.s32 $0xFFFFC180  }
0xb2: {  	[spmem:s2] =	stream.indirect.scatter.add.f32 [tilespmem:s14], [sflag:$0x3], $0x80, s7, s13, $0xb8;
	[tilespmem:$0x1C880] =	vst v63  }
0xb3: {  	_ =	swait.ge [sflag:s18], $0x3E80  }
0xb4: {  	[sflag:s18] =	ssyncset.done $0x0  }
0xb5: {  	[sflag:s18] =	ssyncadd.s32 $0xFFFFC180  }
0xb6: {  	[spmem:s2] =	stream.indirect.scatter.add.f32 [tilespmem:s15], [sflag:$0x4], $0x80, s8, s13, $0xb8;
	[tilespmem:$0x1C880] =	vst v63  }
0xb7: {  	_ =	swait.ge [sflag:s17], $0x3E80  }
0xb8: {  	[sflag:s17] =	ssyncset.done $0x0  }
0xb9: {  	[sflag:s17] =	ssyncadd.s32 $0xFFFFC180  }
0xba: {  	s9 =	simm.s32 $0x100;
	_ =	swait.ge [sflag:s19], $0x3E80  }
0xbb: {  	s11 =	simm.s32 $0x200;
	s5 =	rddreg [dreg:$0x4];
	[sflag:s19] =	ssyncset.done $0x0  }
.LBB2_2:
0xbc: {  	[sflag:s19] =	ssyncadd.s32 $0xFFFFC180;
	s5 =	sadd.s32 s9, s5  }
0xbd: {  	[tilespmem:s3], [sflag:$0x5] =	stream.linear.gather [hbm4b:s5+s3], $0x800, $0x38;
	[tilespmem:$0x1C880] =	vst v63  }
0xbe: {  	_ =	swait.ge [sflag:s10], $0x800  }
0xbf: {  	s5 =	rddreg [dreg:$0x5];
	[sflag:s10] =	ssyncset.done $0x0  }
0xc0: {  	[sflag:s10] =	ssyncadd.s32 $0xFFFFF800;
	s5 =	sadd.s32 s9, s5  }
0xc1: {  	[tilespmem:s12], [sflag:$0x5] =	stream.linear.gather [hbm4b:s5+s3], $0x800, $0x38;
	[tilespmem:$0x1C880] =	vst v63  }
0xc2: {  	_ =	swait.ge [sflag:s10], $0x800  }
0xc3: {  	[sflag:s10] =	ssyncset.done $0x0  }
0xc4: {  	[sflag:s10] =	ssyncadd.s32 $0xFFFFF800  }
0xc5: {  	[tilespmem:s14], [sflag:$0x1] =	stream.indirect.gather [hbm4b:s1+s13], $0x80, s3, s13, $0xb8;
	[tilespmem:$0x1C880] =	vst v63  }
0xc6: {  	s5 =	rddreg [dreg:$0x6]  }
0xc7: {  	[tilespmem:s15], [sflag:$0x2] =	stream.indirect.gather [hbm4b:s1+s13], $0x80, s5, s13, $0xb8;
	[tilespmem:$0x1C880] =	vst v63  }
0xc8: {  	_ =	swait.ge [sflag:s16], $0x3E80  }
0xc9: {  	[sflag:s16] =	ssyncset.done $0x0  }
0xca: {  	[sflag:s16] =	ssyncadd.s32 $0xFFFFC180  }
0xcb: {  	[spmem:s2] =	stream.indirect.scatter.add.f32 [tilespmem:s14], [sflag:$0x3], $0x80, s12, s13, $0xb8;
	[tilespmem:$0x1C880] =	vst v63  }
0xcc: {  	_ =	swait.ge [sflag:s17], $0x3E80  }
0xcd: {  	[sflag:s17] =	ssyncset.done $0x0  }
0xce: {  	s5 =	rddreg [dreg:$0x7];
	[sflag:s17] =	ssyncadd.s32 $0xFFFFC180  }
0xcf: {  	[tilespmem:s14], [sflag:$0x1] =	stream.indirect.gather [hbm4b:s1+s13], $0x80, s5, s13, $0xb8;
	[tilespmem:$0x1C880] =	vst v63  }
0xd0: {  	_ =	swait.ge [sflag:s18], $0x3E80  }
0xd1: {  	[sflag:s18] =	ssyncset.done $0x0  }
0xd2: {  	s5 =	rddreg [dreg:$0x8];
	[sflag:s18] =	ssyncadd.s32 $0xFFFFC180  }
0xd3: {  	[spmem:s2] =	stream.indirect.scatter.add.f32 [tilespmem:s15], [sflag:$0x4], $0x80, s5, s13, $0xb8;
	[tilespmem:$0x1C880] =	vst v63  }
0xd4: {  	_ =	swait.ge [sflag:s19], $0x3E80  }
0xd5: {  	[sflag:s19] =	ssyncset.done $0x0  }
0xd6: {  	s5 =	rddreg [dreg:$0x9];
	[sflag:s19] =	ssyncadd.s32 $0xFFFFC180  }
0xd7: {  	[tilespmem:s15], [sflag:$0x2] =	stream.indirect.gather [hbm4b:s1+s13], $0x80, s5, s13, $0xb8;
	[tilespmem:$0x1C880] =	vst v63  }
0xd8: {  	_ =	swait.ge [sflag:s16], $0x3E80  }
0xd9: {  	[sflag:s16] =	ssyncset.done $0x0  }
0xda: {  	s5 =	rddreg [dreg:$0xa];
	[sflag:s16] =	ssyncadd.s32 $0xFFFFC180  }
0xdb: {  	[spmem:s2] =	stream.indirect.scatter.add.f32 [tilespmem:s14], [sflag:$0x3], $0x80, s5, s13, $0xb8;
	[tilespmem:$0x1C880] =	vst v63  }
0xdc: {  	_ =	swait.ge [sflag:s17], $0x3E80  }
0xdd: {  	[sflag:s17] =	ssyncset.done $0x0  }
0xde: {  	s5 =	rddreg [dreg:$0xb];
	[sflag:s17] =	ssyncadd.s32 $0xFFFFC180  }
0xdf: {  	[tilespmem:s14], [sflag:$0x1] =	stream.indirect.gather [hbm4b:s1+s13], $0x80, s5, s13, $0xb8;
	[tilespmem:$0x1C880] =	vst v63  }
0xe0: {  	_ =	swait.ge [sflag:s18], $0x3E80  }
0xe1: {  	[sflag:s18] =	ssyncset.done $0x0  }
0xe2: {  	s5 =	rddreg [dreg:$0xc];
	[sflag:s18] =	ssyncadd.s32 $0xFFFFC180  }
0xe3: {  	[spmem:s2] =	stream.indirect.scatter.add.f32 [tilespmem:s15], [sflag:$0x4], $0x80, s5, s13, $0xb8;
	[tilespmem:$0x1C880] =	vst v63  }
0xe4: {  	_ =	swait.ge [sflag:s19], $0x3E80  }
0xe5: {  	[sflag:s19] =	ssyncset.done $0x0  }
0xe6: {  	s5 =	rddreg [dreg:$0xd];
	[sflag:s19] =	ssyncadd.s32 $0xFFFFC180  }
0xe7: {  	[tilespmem:s15], [sflag:$0x2] =	stream.indirect.gather [hbm4b:s1+s13], $0x80, s5, s13, $0xb8;
	[tilespmem:$0x1C880] =	vst v63  }
0xe8: {  	_ =	swait.ge [sflag:s16], $0x3E80  }
0xe9: {  	[sflag:s16] =	ssyncset.done $0x0  }
0xea: {  	s5 =	rddreg [dreg:$0xe];
	[sflag:s16] =	ssyncadd.s32 $0xFFFFC180  }
0xeb: {  	[spmem:s2] =	stream.indirect.scatter.add.f32 [tilespmem:s14], [sflag:$0x3], $0x80, s5, s13, $0xb8;
	[tilespmem:$0x1C880] =	vst v63  }
0xec: {  	_ =	swait.ge [sflag:s17], $0x3E80  }
0xed: {  	[sflag:s17] =	ssyncset.done $0x0  }
0xee: {  	s5 =	rddreg [dreg:$0xf];
	[sflag:s17] =	ssyncadd.s32 $0xFFFFC180  }
0xef: {  	[tilespmem:s14], [sflag:$0x1] =	stream.indirect.gather [hbm4b:s1+s13], $0x80, s5, s13, $0xb8;
	[tilespmem:$0x1C880] =	vst v63  }
0xf0: {  	_ =	swait.ge [sflag:s18], $0x3E80  }
0xf1: {  	[sflag:s18] =	ssyncset.done $0x0  }
0xf2: {  	s5 =	rddreg [dreg:$0x10];
	[sflag:s18] =	ssyncadd.s32 $0xFFFFC180  }
0xf3: {  	[spmem:s2] =	stream.indirect.scatter.add.f32 [tilespmem:s15], [sflag:$0x4], $0x80, s5, s13, $0xb8;
	[tilespmem:$0x1C880] =	vst v63  }
0xf4: {  	_ =	swait.ge [sflag:s19], $0x3E80  }
0xf5: {  	[sflag:s19] =	ssyncset.done $0x0  }
0xf6: {  	s5 =	rddreg [dreg:$0x11];
	[sflag:s19] =	ssyncadd.s32 $0xFFFFC180  }
0xf7: {  	[tilespmem:s15], [sflag:$0x2] =	stream.indirect.gather [hbm4b:s1+s13], $0x80, s5, s13, $0xb8;
	[tilespmem:$0x1C880] =	vst v63  }
0xf8: {  	_ =	swait.ge [sflag:s16], $0x3E80  }
0xf9: {  	[sflag:s16] =	ssyncset.done $0x0  }
0xfa: {  	s5 =	rddreg [dreg:$0x12];
	[sflag:s16] =	ssyncadd.s32 $0xFFFFC180  }
0xfb: {  	[spmem:s2] =	stream.indirect.scatter.add.f32 [tilespmem:s14], [sflag:$0x3], $0x80, s5, s13, $0xb8;
	[tilespmem:$0x1C880] =	vst v63  }
0xfc: {  	_ =	swait.ge [sflag:s17], $0x3E80  }
0xfd: {  	[sflag:s17] =	ssyncset.done $0x0  }
0xfe: {  	s5 =	rddreg [dreg:$0x13];
	[sflag:s17] =	ssyncadd.s32 $0xFFFFC180  }
0xff: {  	[tilespmem:s14], [sflag:$0x1] =	stream.indirect.gather [hbm4b:s1+s13], $0x80, s5, s13, $0xb8;
	[tilespmem:$0x1C880] =	vst v63  }
0x100: {  	_ =	swait.ge [sflag:s18], $0x3E80  }
0x101: {  	[sflag:s18] =	ssyncset.done $0x0  }
0x102: {  	s5 =	rddreg [dreg:$0x14];
	[sflag:s18] =	ssyncadd.s32 $0xFFFFC180  }
0x103: {  	[spmem:s2] =	stream.indirect.scatter.add.f32 [tilespmem:s15], [sflag:$0x4], $0x80, s5, s13, $0xb8;
	[tilespmem:$0x1C880] =	vst v63  }
0x104: {  	_ =	swait.ge [sflag:s19], $0x3E80  }
0x105: {  	[sflag:s19] =	ssyncset.done $0x0  }
0x106: {  	[sflag:s19] =	ssyncadd.s32 $0xFFFFC180  }
0x107: {  	[tilespmem:s15], [sflag:$0x2] =	stream.indirect.gather [hbm4b:s1+s13], $0x80, s20, s13, $0xb8;
	[tilespmem:$0x1C880] =	vst v63  }
0x108: {  	_ =	swait.ge [sflag:s16], $0x3E80  }
0x109: {  	[sflag:s16] =	ssyncset.done $0x0  }
0x10a: {  	[sflag:s16] =	ssyncadd.s32 $0xFFFFC180  }
0x10b: {  	[spmem:s2] =	stream.indirect.scatter.add.f32 [tilespmem:s14], [sflag:$0x3], $0x80, s21, s13, $0xb8;
	[tilespmem:$0x1C880] =	vst v63  }
0x10c: {  	_ =	swait.ge [sflag:s17], $0x3E80  }
0x10d: {  	[sflag:s17] =	ssyncset.done $0x0  }
0x10e: {  	[sflag:s17] =	ssyncadd.s32 $0xFFFFC180  }
0x10f: {  	[tilespmem:s14], [sflag:$0x1] =	stream.indirect.gather [hbm4b:s1+s13], $0x80, s22, s13, $0xb8;
	[tilespmem:$0x1C880] =	vst v63  }
0x110: {  	_ =	swait.ge [sflag:s18], $0x3E80  }
0x111: {  	[sflag:s18] =	ssyncset.done $0x0  }
0x112: {  	[sflag:s18] =	ssyncadd.s32 $0xFFFFC180  }
0x113: {  	[spmem:s2] =	stream.indirect.scatter.add.f32 [tilespmem:s15], [sflag:$0x4], $0x80, s23, s13, $0xb8;
	[tilespmem:$0x1C880] =	vst v63  }
0x114: {  	_ =	swait.ge [sflag:s19], $0x3E80  }
0x115: {  	[sflag:s19] =	ssyncset.done $0x0  }
0x116: {  	[sflag:s19] =	ssyncadd.s32 $0xFFFFC180  }
0x117: {  	[tilespmem:s15], [sflag:$0x2] =	stream.indirect.gather [hbm4b:s1+s13], $0x80, s24, s13, $0xb8;
	[tilespmem:$0x1C880] =	vst v63  }
0x118: {  	_ =	swait.ge [sflag:s16], $0x3E80  }
0x119: {  	[sflag:s16] =	ssyncset.done $0x0  }
0x11a: {  	[sflag:s16] =	ssyncadd.s32 $0xFFFFC180  }
0x11b: {  	[spmem:s2] =	stream.indirect.scatter.add.f32 [tilespmem:s14], [sflag:$0x3], $0x80, s25, s13, $0xb8;
	[tilespmem:$0x1C880] =	vst v63  }
0x11c: {  	_ =	swait.ge [sflag:s17], $0x3E80  }
0x11d: {  	[sflag:s17] =	ssyncset.done $0x0  }
0x11e: {  	[sflag:s17] =	ssyncadd.s32 $0xFFFFC180  }
0x11f: {  	[tilespmem:s14], [sflag:$0x1] =	stream.indirect.gather [hbm4b:s1+s13], $0x80, s26, s13, $0xb8;
	[tilespmem:$0x1C880] =	vst v63  }
0x120: {  	_ =	swait.ge [sflag:s18], $0x3E80  }
0x121: {  	[sflag:s18] =	ssyncset.done $0x0  }
0x122: {  	[sflag:s18] =	ssyncadd.s32 $0xFFFFC180  }
0x123: {  	[spmem:s2] =	stream.indirect.scatter.add.f32 [tilespmem:s15], [sflag:$0x4], $0x80, s28, s13, $0xb8;
	[tilespmem:$0x1C880] =	vst v63  }
0x124: {  	_ =	swait.ge [sflag:s19], $0x3E80  }
0x125: {  	[sflag:s19] =	ssyncset.done $0x0  }
0x126: {  	[sflag:s19] =	ssyncadd.s32 $0xFFFFC180  }
0x127: {  	[tilespmem:s15], [sflag:$0x2] =	stream.indirect.gather [hbm4b:s1+s13], $0x80, s29, s13, $0xb8;
	[tilespmem:$0x1C880] =	vst v63  }
0x128: {  	_ =	swait.ge [sflag:s16], $0x3E80  }
0x129: {  	[sflag:s16] =	ssyncset.done $0x0  }
0x12a: {  	[sflag:s16] =	ssyncadd.s32 $0xFFFFC180  }
0x12b: {  	[spmem:s2] =	stream.indirect.scatter.add.f32 [tilespmem:s14], [sflag:$0x3], $0x80, s30, s13, $0xb8;
	[tilespmem:$0x1C880] =	vst v63  }
0x12c: {  	_ =	swait.ge [sflag:s17], $0x3E80  }
0x12d: {  	[sflag:s17] =	ssyncset.done $0x0  }
0x12e: {  	[sflag:s17] =	ssyncadd.s32 $0xFFFFC180  }
0x12f: {  	[tilespmem:s14], [sflag:$0x1] =	stream.indirect.gather [hbm4b:s1+s13], $0x80, s31, s13, $0xb8;
	[tilespmem:$0x1C880] =	vst v63  }
0x130: {  	_ =	swait.ge [sflag:s18], $0x3E80  }
0x131: {  	[sflag:s18] =	ssyncset.done $0x0  }
0x132: {  	[sflag:s18] =	ssyncadd.s32 $0xFFFFC180  }
0x133: {  	[spmem:s2] =	stream.indirect.scatter.add.f32 [tilespmem:s15], [sflag:$0x4], $0x80, s0, s13, $0xb8;
	[tilespmem:$0x1C880] =	vst v63  }
0x134: {  	_ =	swait.ge [sflag:s19], $0x3E80  }
0x135: {  	[sflag:s19] =	ssyncset.done $0x0  }
0x136: {  	[sflag:s19] =	ssyncadd.s32 $0xFFFFC180  }
0x137: {  	[tilespmem:s15], [sflag:$0x2] =	stream.indirect.gather [hbm4b:s1+s13], $0x80, s6, s13, $0xb8;
	[tilespmem:$0x1C880] =	vst v63  }
0x138: {  	_ =	swait.ge [sflag:s16], $0x3E80  }
0x139: {  	[sflag:s16] =	ssyncset.done $0x0  }
0x13a: {  	[sflag:s16] =	ssyncadd.s32 $0xFFFFC180  }
0x13b: {  	[spmem:s2] =	stream.indirect.scatter.add.f32 [tilespmem:s14], [sflag:$0x3], $0x80, s7, s13, $0xb8;
	[tilespmem:$0x1C880] =	vst v63  }
0x13c: {  	_ =	swait.ge [sflag:s18], $0x3E80  }
0x13d: {  	[sflag:s18] =	ssyncset.done $0x0  }
0x13e: {  	p1 =	sne.s32 s11, $0x400;
	[sflag:s18] =	ssyncadd.s32 $0xFFFFC180  }
0x13f: {  	[spmem:s2] =	stream.indirect.scatter.add.f32 [tilespmem:s15], [sflag:$0x4], $0x80, s8, s13, $0xb8;
	[tilespmem:$0x1C880] =	vst v63  }
.Ltmp0:
0x140: {  	_ =	swait.ge [sflag:s17], $0x3E80;
	(pc) =	sbr.rel @p1 .LBB2_2-.Ltmp0, $4  }
0x141: {  	[sflag:s17] =	ssyncset.done $0x0  }
0x142: {  	[sflag:s17] =	ssyncadd.s32 $0xFFFFC180  }
0x143: {  	s4 =	smov.u32 s11;
	s11 =	sadd.s32 $0x100, s11;
	_ =	swait.ge [sflag:s19], $0x3E80  }
0x144: {  	s9 =	smov.u32 s4;
	s5 =	rddreg [dreg:$0x4];
	[sflag:s19] =	ssyncset.done $0x0  }
0x145: {  	[sflag:s19] =	ssyncadd.s32 $0xFFFFC180;
	s4 =	sadd.s32 s9, s5  }
0x146: {  	[tilespmem:s3], [sflag:$0x5] =	stream.linear.gather [hbm4b:s4+s3], $0x800, $0x38;
	[tilespmem:$0x1C880] =	vst v63  }
0x147: {  	_ =	swait.ge [sflag:s10], $0x800  }
0x148: {  	s5 =	rddreg [dreg:$0x5];
	[sflag:s10] =	ssyncset.done $0x0  }
0x149: {  	s4 =	sadd.s32 s9, s5;
	[sflag:s10] =	ssyncadd.s32 $0xFFFFF800  }
0x14a: {  	[tilespmem:s12], [sflag:$0x5] =	stream.linear.gather [hbm4b:s4+s3], $0x800, $0x38;
	[tilespmem:$0x1C880] =	vst v63  }
0x14b: {  	_ =	swait.ge [sflag:s10], $0x800  }
0x14c: {  	[sflag:s10] =	ssyncset.done $0x0  }
0x14d: {  	[sflag:s10] =	ssyncadd.s32 $0xFFFFF800  }
0x14e: {  	[tilespmem:s14], [sflag:$0x1] =	stream.indirect.gather [hbm4b:s1+s13], $0x80, s3, s13, $0xb8;
	[tilespmem:$0x1C880] =	vst v63  }
0x14f: {  	s9 =	rddreg [dreg:$0x6]  }
0x150: {  	[tilespmem:s15], [sflag:$0x2] =	stream.indirect.gather [hbm4b:s1+s13], $0x80, s9, s13, $0xb8;
	[tilespmem:$0x1C880] =	vst v63  }
0x151: {  	_ =	swait.ge [sflag:s16], $0x3E80  }
0x152: {  	[sflag:s16] =	ssyncset.done $0x0  }
0x153: {  	[sflag:s16] =	ssyncadd.s32 $0xFFFFC180  }
0x154: {  	[spmem:s2] =	stream.indirect.scatter.add.f32 [tilespmem:s14], [sflag:$0x3], $0x80, s12, s13, $0xb8;
	[tilespmem:$0x1C880] =	vst v63  }
0x155: {  	_ =	swait.ge [sflag:s17], $0x3E80  }
0x156: {  	[sflag:s17] =	ssyncset.done $0x0  }
0x157: {  	s11 =	rddreg [dreg:$0x7];
	[sflag:s17] =	ssyncadd.s32 $0xFFFFC180  }
0x158: {  	[tilespmem:s14], [sflag:$0x1] =	stream.indirect.gather [hbm4b:s1+s13], $0x80, s11, s13, $0xb8;
	[tilespmem:$0x1C880] =	vst v63  }
0x159: {  	_ =	swait.ge [sflag:s18], $0x3E80  }
0x15a: {  	[sflag:s18] =	ssyncset.done $0x0  }
0x15b: {  	s5 =	rddreg [dreg:$0x8];
	[sflag:s18] =	ssyncadd.s32 $0xFFFFC180  }
0x15c: {  	[spmem:s2] =	stream.indirect.scatter.add.f32 [tilespmem:s15], [sflag:$0x4], $0x80, s5, s13, $0xb8;
	[tilespmem:$0x1C880] =	vst v63  }
0x15d: {  	_ =	swait.ge [sflag:s19], $0x3E80  }
0x15e: {  	[sflag:s19] =	ssyncset.done $0x0  }
0x15f: {  	s9 =	rddreg [dreg:$0x9];
	[sflag:s19] =	ssyncadd.s32 $0xFFFFC180  }
0x160: {  	[tilespmem:s15], [sflag:$0x2] =	stream.indirect.gather [hbm4b:s1+s13], $0x80, s9, s13, $0xb8;
	[tilespmem:$0x1C880] =	vst v63  }
0x161: {  	_ =	swait.ge [sflag:s16], $0x3E80  }
0x162: {  	[sflag:s16] =	ssyncset.done $0x0  }
0x163: {  	s11 =	rddreg [dreg:$0xa];
	[sflag:s16] =	ssyncadd.s32 $0xFFFFC180  }
0x164: {  	[spmem:s2] =	stream.indirect.scatter.add.f32 [tilespmem:s14], [sflag:$0x3], $0x80, s11, s13, $0xb8;
	[tilespmem:$0x1C880] =	vst v63  }
0x165: {  	_ =	swait.ge [sflag:s17], $0x3E80  }
0x166: {  	[sflag:s17] =	ssyncset.done $0x0  }
0x167: {  	s5 =	rddreg [dreg:$0xb];
	[sflag:s17] =	ssyncadd.s32 $0xFFFFC180  }
0x168: {  	[tilespmem:s14], [sflag:$0x1] =	stream.indirect.gather [hbm4b:s1+s13], $0x80, s5, s13, $0xb8;
	[tilespmem:$0x1C880] =	vst v63  }
0x169: {  	_ =	swait.ge [sflag:s18], $0x3E80  }
0x16a: {  	[sflag:s18] =	ssyncset.done $0x0  }
0x16b: {  	s9 =	rddreg [dreg:$0xc];
	[sflag:s18] =	ssyncadd.s32 $0xFFFFC180  }
0x16c: {  	[spmem:s2] =	stream.indirect.scatter.add.f32 [tilespmem:s15], [sflag:$0x4], $0x80, s9, s13, $0xb8;
	[tilespmem:$0x1C880] =	vst v63  }
0x16d: {  	_ =	swait.ge [sflag:s19], $0x3E80  }
0x16e: {  	[sflag:s19] =	ssyncset.done $0x0  }
0x16f: {  	s11 =	rddreg [dreg:$0xd];
	[sflag:s19] =	ssyncadd.s32 $0xFFFFC180  }
0x170: {  	[tilespmem:s15], [sflag:$0x2] =	stream.indirect.gather [hbm4b:s1+s13], $0x80, s11, s13, $0xb8;
	[tilespmem:$0x1C880] =	vst v63  }
0x171: {  	_ =	swait.ge [sflag:s16], $0x3E80  }
0x172: {  	[sflag:s16] =	ssyncset.done $0x0  }
0x173: {  	s5 =	rddreg [dreg:$0xe];
	[sflag:s16] =	ssyncadd.s32 $0xFFFFC180  }
0x174: {  	[spmem:s2] =	stream.indirect.scatter.add.f32 [tilespmem:s14], [sflag:$0x3], $0x80, s5, s13, $0xb8;
	[tilespmem:$0x1C880] =	vst v63  }
0x175: {  	_ =	swait.ge [sflag:s17], $0x3E80  }
0x176: {  	[sflag:s17] =	ssyncset.done $0x0  }
0x177: {  	s9 =	rddreg [dreg:$0xf];
	[sflag:s17] =	ssyncadd.s32 $0xFFFFC180  }
0x178: {  	[tilespmem:s14], [sflag:$0x1] =	stream.indirect.gather [hbm4b:s1+s13], $0x80, s9, s13, $0xb8;
	[tilespmem:$0x1C880] =	vst v63  }
0x179: {  	_ =	swait.ge [sflag:s18], $0x3E80  }
0x17a: {  	[sflag:s18] =	ssyncset.done $0x0  }
0x17b: {  	s11 =	rddreg [dreg:$0x10];
	[sflag:s18] =	ssyncadd.s32 $0xFFFFC180  }
0x17c: {  	[spmem:s2] =	stream.indirect.scatter.add.f32 [tilespmem:s15], [sflag:$0x4], $0x80, s11, s13, $0xb8;
	[tilespmem:$0x1C880] =	vst v63  }
0x17d: {  	_ =	swait.ge [sflag:s19], $0x3E80  }
0x17e: {  	[sflag:s19] =	ssyncset.done $0x0  }
0x17f: {  	s5 =	rddreg [dreg:$0x11];
	[sflag:s19] =	ssyncadd.s32 $0xFFFFC180  }
0x180: {  	[tilespmem:s15], [sflag:$0x2] =	stream.indirect.gather [hbm4b:s1+s13], $0x80, s5, s13, $0xb8;
	[tilespmem:$0x1C880] =	vst v63  }
0x181: {  	_ =	swait.ge [sflag:s16], $0x3E80  }
0x182: {  	[sflag:s16] =	ssyncset.done $0x0  }
0x183: {  	s9 =	rddreg [dreg:$0x12];
	[sflag:s16] =	ssyncadd.s32 $0xFFFFC180  }
0x184: {  	[spmem:s2] =	stream.indirect.scatter.add.f32 [tilespmem:s14], [sflag:$0x3], $0x80, s9, s13, $0xb8;
	[tilespmem:$0x1C880] =	vst v63  }
0x185: {  	_ =	swait.ge [sflag:s17], $0x3E80  }
0x186: {  	[sflag:s17] =	ssyncset.done $0x0  }
0x187: {  	s11 =	rddreg [dreg:$0x13];
	[sflag:s17] =	ssyncadd.s32 $0xFFFFC180  }
0x188: {  	[tilespmem:s14], [sflag:$0x1] =	stream.indirect.gather [hbm4b:s1+s13], $0x80, s11, s13, $0xb8;
	[tilespmem:$0x1C880] =	vst v63  }
0x189: {  	_ =	swait.ge [sflag:s18], $0x3E80  }
0x18a: {  	[sflag:s18] =	ssyncset.done $0x0  }
0x18b: {  	s5 =	rddreg [dreg:$0x14];
	[sflag:s18] =	ssyncadd.s32 $0xFFFFC180  }
0x18c: {  	[spmem:s2] =	stream.indirect.scatter.add.f32 [tilespmem:s15], [sflag:$0x4], $0x80, s5, s13, $0xb8;
	[tilespmem:$0x1C880] =	vst v63  }
0x18d: {  	_ =	swait.ge [sflag:s19], $0x3E80  }
0x18e: {  	[sflag:s19] =	ssyncset.done $0x0  }
0x18f: {  	[sflag:s19] =	ssyncadd.s32 $0xFFFFC180  }
0x190: {  	[tilespmem:s15], [sflag:$0x2] =	stream.indirect.gather [hbm4b:s1+s13], $0x80, s20, s13, $0xb8;
	[tilespmem:$0x1C880] =	vst v63  }
0x191: {  	_ =	swait.ge [sflag:s16], $0x3E80  }
0x192: {  	[sflag:s16] =	ssyncset.done $0x0  }
0x193: {  	[sflag:s16] =	ssyncadd.s32 $0xFFFFC180  }
0x194: {  	[spmem:s2] =	stream.indirect.scatter.add.f32 [tilespmem:s14], [sflag:$0x3], $0x80, s21, s13, $0xb8;
	[tilespmem:$0x1C880] =	vst v63  }
0x195: {  	_ =	swait.ge [sflag:s17], $0x3E80  }
0x196: {  	[sflag:s17] =	ssyncset.done $0x0  }
0x197: {  	[sflag:s17] =	ssyncadd.s32 $0xFFFFC180  }
0x198: {  	[tilespmem:s14], [sflag:$0x1] =	stream.indirect.gather [hbm4b:s1+s13], $0x80, s22, s13, $0xb8;
	[tilespmem:$0x1C880] =	vst v63  }
0x199: {  	_ =	swait.ge [sflag:s18], $0x3E80  }
0x19a: {  	[sflag:s18] =	ssyncset.done $0x0  }
0x19b: {  	[sflag:s18] =	ssyncadd.s32 $0xFFFFC180  }
0x19c: {  	[spmem:s2] =	stream.indirect.scatter.add.f32 [tilespmem:s15], [sflag:$0x4], $0x80, s23, s13, $0xb8;
	[tilespmem:$0x1C880] =	vst v63  }
0x19d: {  	_ =	swait.ge [sflag:s19], $0x3E80  }
0x19e: {  	[sflag:s19] =	ssyncset.done $0x0  }
0x19f: {  	[sflag:s19] =	ssyncadd.s32 $0xFFFFC180  }
0x1a0: {  	[tilespmem:s15], [sflag:$0x2] =	stream.indirect.gather [hbm4b:s1+s13], $0x80, s24, s13, $0xb8;
	[tilespmem:$0x1C880] =	vst v63  }
0x1a1: {  	_ =	swait.ge [sflag:s16], $0x3E80  }
0x1a2: {  	[sflag:s16] =	ssyncset.done $0x0  }
0x1a3: {  	[sflag:s16] =	ssyncadd.s32 $0xFFFFC180  }
0x1a4: {  	[spmem:s2] =	stream.indirect.scatter.add.f32 [tilespmem:s14], [sflag:$0x3], $0x80, s25, s13, $0xb8;
	[tilespmem:$0x1C880] =	vst v63  }
0x1a5: {  	_ =	swait.ge [sflag:s17], $0x3E80  }
0x1a6: {  	[sflag:s17] =	ssyncset.done $0x0  }
0x1a7: {  	[sflag:s17] =	ssyncadd.s32 $0xFFFFC180  }
0x1a8: {  	[tilespmem:s14], [sflag:$0x1] =	stream.indirect.gather [hbm4b:s1+s13], $0x80, s26, s13, $0xb8;
	[tilespmem:$0x1C880] =	vst v63  }
0x1a9: {  	_ =	swait.ge [sflag:s18], $0x3E80  }
0x1aa: {  	[sflag:s18] =	ssyncset.done $0x0  }
0x1ab: {  	[sflag:s18] =	ssyncadd.s32 $0xFFFFC180  }
0x1ac: {  	[spmem:s2] =	stream.indirect.scatter.add.f32 [tilespmem:s15], [sflag:$0x4], $0x80, s28, s13, $0xb8;
	[tilespmem:$0x1C880] =	vst v63  }
0x1ad: {  	_ =	swait.ge [sflag:s19], $0x3E80  }
0x1ae: {  	[sflag:s19] =	ssyncset.done $0x0  }
0x1af: {  	[sflag:s19] =	ssyncadd.s32 $0xFFFFC180  }
0x1b0: {  	[tilespmem:s15], [sflag:$0x2] =	stream.indirect.gather [hbm4b:s1+s13], $0x80, s29, s13, $0xb8;
	[tilespmem:$0x1C880] =	vst v63  }
0x1b1: {  	_ =	swait.ge [sflag:s16], $0x3E80  }
0x1b2: {  	[sflag:s16] =	ssyncset.done $0x0  }
0x1b3: {  	[sflag:s16] =	ssyncadd.s32 $0xFFFFC180  }
0x1b4: {  	[spmem:s2] =	stream.indirect.scatter.add.f32 [tilespmem:s14], [sflag:$0x3], $0x80, s30, s13, $0xb8;
	[tilespmem:$0x1C880] =	vst v63  }
0x1b5: {  	_ =	swait.ge [sflag:s17], $0x3E80  }
0x1b6: {  	[sflag:s17] =	ssyncset.done $0x0  }
0x1b7: {  	[sflag:s17] =	ssyncadd.s32 $0xFFFFC180  }
0x1b8: {  	[tilespmem:s14], [sflag:$0x1] =	stream.indirect.gather [hbm4b:s1+s13], $0x80, s31, s13, $0xb8;
	[tilespmem:$0x1C880] =	vst v63  }
0x1b9: {  	_ =	swait.ge [sflag:s18], $0x3E80  }
0x1ba: {  	[sflag:s18] =	ssyncset.done $0x0  }
0x1bb: {  	[sflag:s18] =	ssyncadd.s32 $0xFFFFC180  }
0x1bc: {  	[spmem:s2] =	stream.indirect.scatter.add.f32 [tilespmem:s15], [sflag:$0x4], $0x80, s0, s13, $0xb8;
	[tilespmem:$0x1C880] =	vst v63  }
0x1bd: {  	_ =	swait.ge [sflag:s19], $0x3E80  }
0x1be: {  	[sflag:s19] =	ssyncset.done $0x0  }
0x1bf: {  	[sflag:s19] =	ssyncadd.s32 $0xFFFFC180  }
0x1c0: {  	[tilespmem:s15], [sflag:$0x2] =	stream.indirect.gather [hbm4b:s1+s13], $0x80, s6, s13, $0xb8;
	[tilespmem:$0x1C880] =	vst v63  }
0x1c1: {  	_ =	swait.ge [sflag:s16], $0x3E80  }
0x1c2: {  	[sflag:s16] =	ssyncset.done $0x0  }
0x1c3: {  	[sflag:s16] =	ssyncadd.s32 $0xFFFFC180  }
0x1c4: {  	[spmem:s2] =	stream.indirect.scatter.add.f32 [tilespmem:s14], [sflag:$0x3], $0x80, s7, s13, $0xb8;
	[tilespmem:$0x1C880] =	vst v63  }
0x1c5: {  	_ =	swait.ge [sflag:s18], $0x3E80  }
0x1c6: {  	[sflag:s18] =	ssyncset.done $0x0  }
0x1c7: {  	[sflag:s18] =	ssyncadd.s32 $0xFFFFC180  }
0x1c8: {  	[spmem:s2] =	stream.indirect.scatter.add.f32 [tilespmem:s15], [sflag:$0x4], $0x80, s8, s13, $0xb8;
	[tilespmem:$0x1C880] =	vst v63  }
0x1c9: {  	_ =	swait.ge [sflag:s17], $0x3E80  }
0x1ca: {  	[sflag:s17] =	ssyncset.done $0x0  }
0x1cb: {  	[sflag:s17] =	ssyncadd.s32 $0xFFFFC180  }
0x1cc: {  	_ =	swait.ge [sflag:s19], $0x3E80  }
0x1cd: {  	[sflag:s19] =	ssyncset.done $0x0  }
0x1ce: {  	[sflag:s19] =	ssyncadd.s32 $0xFFFFC180  }
0x1cf: {  	[bflag:$0x0] =	sbarrier.arrive $0xFFFF  }
0x1d0: {  	s5 =	rddreg [dreg:$0x16]  }
0x1d1: {  	s9 =	rddreg [dreg:$0x17]  }
0x1d2: {  	s11 =	rddreg [dreg:$0x1a]  }
0x1d3: {  	[hbm:s9], [sflag:s5] =	dma.local [spmem:s11], $0x2700  }
0x1d4: {  	_ =	swait.ge [sflag:s10], $0x2700  }
0x1d5: {  	[sflag:s10] =	ssyncset.done $0x0;
	s4 =	rddreg [dreg:$0x18]  }
0x1d6: {  	s9 =	simm.s32 @!p0 $0x5;
	s11 =	rddreg [dreg:$0x1b];
	[sflag:s10] =	ssyncadd.s32 $0xFFFFD900  }
0x1d7: {  	[hbm:s4], [sflag:s5] =	dma.local @!p0 [spmem:s11], $0x100  }
0x1d8: {  	_ =	swait.ge @!p0 [sflag:s9], $0x100  }
0x1d9: {  	s4 =	rddreg [dreg:$0x1c]  }
0x1da: {  	[sflag:s9] =	ssyncset.done @!p0 $0x0;
	s9 =	rddreg [dreg:$0x19];
	s4 =	sadd.s32 $0x1, s4  }
0x1db: {  	p1 =	sne.s32 s4, s9  }
.Ltmp1:
0x1dc: {  	_ = 	snop;
	(pc) =	sbr.rel @p1 .LBB2_1-.Ltmp1, $3  }
0x1dd: {  	_ =	sdelay $0x1  }
0x1de: {  	[dreg:$0x1c] =	wrdreg s4;
	s4 =	simm.s32 @!p0 $0x5  }
0x1df: {  	s9 =	smov.u32 s11;
	s11 =	rddreg [dreg:$0x1a];
	[sflag:s4] =	ssyncadd.s32 @!p0 $0xFFFFFF00  }
0x1e0: {  	_ =	sfence.sel $0x180000  }
0x1e1: {  	[bflag:$0x0] =	sbarrier.arrive $0xFFFF  }
0x1e2: {  	_ =	strace $0x9000004A  }
0x1e3: {  	[bflag:$0x2] =	sbarrier.arrive $0xFFFF  }
0x1e4: {  	s0 =	rddreg [dreg:$0x3]  }
0x1e5: {  	s0 =	sadd.s32 @!p0 $0x100000, s0  }
0x1e6: {  	[sflag:s0] =	ssyncadd.tile.s32 @!p0 $0x1;
	_ =	shalt  }
.Lfunc_end2:
_tile_overlayer_lowered:
.L_overlay_start_2:
0x1e7: {  	(tag) =	ssettag $0x2  }
0x1e8: {  	s0 =	rddreg [dreg:$0x0];
	s2 =	stileid.u32  }
0x1e9: {  	s1 =	rddreg [dreg:$0x1];
	p0 =	sne.s32 s2, $0x0  }
0x1ea: {  	s3 =	rddreg [dreg:$0x2];
	[bflag:$0x3] =	sbarrier.arrive $0xFFFF;
	s2 =	simm.s32 @!p0 $0x1C05  }
0x1eb: {  	[timem:s3], [sflag:s2] =	dma.local @!p0 [hbm:s0], s1  }
0x1ec: {  	s0 =	simm.s32 @!p0 $0x5  }
0x1ed: {  	_ =	swait.ge @!p0 [sflag:s0], s1  }
0x1ee: {  	s1 =	ssub.s32 @!p0 $0x0, s1;
	[sflag:s0] =	ssyncset.done @!p0 $0x0  }
0x1ef: {  	[sflag:s0] =	ssyncadd.s32 @!p0 s1  }
0x1f0: {  	[bflag:$0x3] =	sbarrier.arrive $0xFFFF  }
0x1f1: {  	_ =	shalt  }

</sc_bundles>
